<compile_context>
chip_gen: v7x
topology: tpu7x:2x2x1
jax: 0.10.2.dev20260603
libtpu: 0.0.44.dev20260713+nightly
codegen_flags: <defaults>
</compile_context>

<pallas_src>
import functools

import jax
import jax.numpy as jnp
from jax import lax
from jax.experimental import pallas as pl
from jax.experimental.pallas import tpu as pltpu
from jax.experimental.pallas import tpu_sc as plsc

_N_CODES = 8192
_DIM = 256
_RB = 1024
_NI = 9
_CHUNK = 2736
_NJ = 3



def _round_bf16_f32(x):
    r = jax.lax.bitcast_convert_type(x, jnp.int32)
    odd = jax.lax.shift_right_logical(r, 16) & jnp.int32(1)
    rr = (r + jnp.int32(0x7FFF) + odd) & jnp.int32(-65536)
    return jax.lax.bitcast_convert_type(rr, jnp.float32)


def _dist_body(fnorm, flat2, cb, cnorm, codes, dmin):
    ab2 = jax.lax.dot_general(flat2[...], cb[...], (((1,), (1,)), ((), ())),
                              preferred_element_type=jnp.float32)
    d2 = (fnorm[...] - ab2) + cnorm[...]
    s = jnp.sqrt(jnp.maximum(d2, 0.0))
    big = jnp.float32(2 * _N_CODES)
    run_v = None
    for c in range(_NJ):
        lo = c * _CHUNK
        hi = min((c + 1) * _CHUNK, _N_CODES)
        sc = jax.lax.slice(s, (0, lo), (_RB, hi))
        colf = (jax.lax.broadcasted_iota(jnp.int32, (_RB, hi - lo), 1)
                .astype(jnp.float32))
        m = jnp.min(sc, axis=1, keepdims=True)
        idx = jnp.min(jnp.where(sc == m, colf + jnp.float32(lo), big),
                      axis=1, keepdims=True)
        if run_v is None:
            run_v = _round_bf16_f32(m)
            run_i, run_m = idx, m
        else:
            take = m < run_v
            run_v = jnp.where(take, _round_bf16_f32(m), run_v)
            run_i = jnp.where(take, idx, run_i)
            run_m = jnp.where(take, m, run_m)
    codes[...] = run_i.astype(jnp.int32)
    dmin[...] = run_m


def _distance_argmin(fnorm, flat, codebook, cnorm):
    return pl.pallas_call(
        _dist_body,
        grid=(_NI,),
        in_specs=[
            pl.BlockSpec((_RB, 1), lambda i: (i, 0)),
            pl.BlockSpec((_RB, _DIM), lambda i: (i, 0)),
            pl.BlockSpec((_N_CODES, _DIM), lambda i: (0, 0)),
            pl.BlockSpec((1, _N_CODES), lambda i: (0, 0)),
        ],
        out_specs=[
            pl.BlockSpec((_RB, 1), lambda i: (i, 0)),
            pl.BlockSpec((_RB, 1), lambda i: (i, 0)),
        ],
        out_shape=[
            jax.ShapeDtypeStruct((_NI * _RB, 1), jnp.int32),
            jax.ShapeDtypeStruct((_NI * _RB, 1), jnp.float32),
        ],
    )(fnorm, flat, codebook, cnorm)


_NW = 32
_BPW = 9216 // _NW
_SUB = 96
_NSUB = _BPW // _SUB


def _sc_gather_hist(codebook, codes_flat, zeros8k, ones96):
    mesh = plsc.VectorSubcoreMesh(core_axis_name="c", subcore_axis_name="s")

    @functools.partial(
        pl.kernel, mesh=mesh,
        out_type=[jax.ShapeDtypeStruct((9216, _DIM), jnp.float32),
                  jax.ShapeDtypeStruct((2, _N_CODES), jnp.float32)],
        scratch_types=[
            pltpu.VMEM((_NSUB, _SUB), jnp.int32),
            pltpu.VMEM((_SUB, _DIM), jnp.float32),
            pltpu.VMEM((_SUB,), jnp.float32),
            pltpu.VMEM_SHARED((_N_CODES,), jnp.float32),
            pltpu.SemaphoreType.DMA,
        ])
    def k(cb_hbm, codes_hbm, z_hbm, one_hbm, quant_hbm, counts_hbm,
          idx_v, rows_v, ones_v, shared, sem):
        cid = lax.axis_index("c")
        sid = lax.axis_index("s")
        wid = sid * 2 + cid
        base = wid * _BPW
        for c in range(_NSUB):
            pltpu.sync_copy(codes_hbm.at[pl.ds(base + c * _SUB, _SUB)],
                            idx_v.at[c])
            pltpu.async_copy(cb_hbm.at[idx_v.at[c]], rows_v, sem).wait()
            pltpu.sync_copy(rows_v, quant_hbm.at[pl.ds(base + c * _SUB, _SUB)])
        pltpu.sync_copy(one_hbm, ones_v)

        @pl.when(sid == 0)
        def _():
            pltpu.sync_copy(z_hbm, shared)

        plsc.subcore_barrier()
        for c in range(_NSUB):
            pltpu.sync_copy(ones_v, shared.at[idx_v.at[c]], add=True)
        plsc.subcore_barrier()

        @pl.when(sid == 0)
        def _():
            pltpu.sync_copy(shared, counts_hbm.at[cid])

    return k(codebook, codes_flat, zeros8k, ones96)


def kernel(latents, codebook):
    shape = latents.shape
    flat2 = (2.0 * latents).astype(jnp.bfloat16).reshape(-1, _DIM)
    fnorm = jnp.sum(latents * latents, axis=-1).reshape(-1, 1)
    cnorm = jnp.sum(codebook * codebook, axis=1)[None, :]
    codes2, dmin = _distance_argmin(fnorm, flat2, codebook, cnorm)
    codes_flat = codes2.reshape(-1)
    codes = codes_flat.reshape(shape[:-1])
    quant, counts2 = _sc_gather_hist(
        codebook, codes_flat, jnp.zeros((_N_CODES,), jnp.float32),
        jnp.ones((_SUB,), jnp.float32))
    quantized = quant.reshape(shape)
    codebook_loss = jnp.sum(dmin * dmin) / jnp.float32(9216 * _DIM)
    commitment_loss = codebook_loss
    quantized_st = latents + jax.lax.stop_gradient(quantized - latents)
    counts = counts2[0] + counts2[1]
    probs = counts / jnp.sum(counts)
    entropy = -jnp.sum(probs * jnp.log(probs + 1e-10))
    perplexity = jnp.exp(entropy)
    return (quantized_st, codes, commitment_loss * 0.25, codebook_loss,
            perplexity)

# --- scband reference (transcript-rebuilt; emitter-appended) ---
"""Pipeline reference for scband-vector-quantizer-11570641896079 (READ-ONLY COPY).

The authoritative reference and input builder live on the scoring server;
editing this copy changes nothing except your own understanding.
"""

import jax, jax.numpy as jnp
import numpy as np

NUM_CODES = 8192
CODE_DIM = 256
COMMITMENT_COST = 0.25


def setup_inputs(seed: int = 0) -> dict:
    key = jax.random.key(seed)
    k1, k2 = jax.random.split(key)
    latents = jax.random.normal(k1, (16, 24, 24, CODE_DIM), dtype=jnp.float32)
    # codebook initialized uniform(-1/num_codes, 1/num_codes) as in torch module
    codebook = jax.random.uniform(k2, (NUM_CODES, CODE_DIM), dtype=jnp.float32,
                                  minval=-1.0 / NUM_CODES, maxval=1.0 / NUM_CODES)
    return {"latents": latents, "codebook": codebook}


def reference(latents, codebook):
    latents_shape = latents.shape
    flat = latents.reshape(-1, CODE_DIM)
    # torch.cdist p=2: euclidean distances
    d2 = (jnp.sum(flat * flat, axis=1, keepdims=True)
          - 2.0 * flat @ codebook.T
          + jnp.sum(codebook * codebook, axis=1)[None, :])
    distances = jnp.sqrt(jnp.maximum(d2, 0.0))
    codes_flat = jnp.argmin(distances, axis=-1)
    codes = codes_flat.reshape(latents_shape[:-1])
    quantized = jnp.take(codebook, codes_flat, axis=0).reshape(latents_shape)
    commitment_loss = jnp.mean((latents - jax.lax.stop_gradient(quantized)) ** 2)
    codebook_loss = jnp.mean((quantized - jax.lax.stop_gradient(latents)) ** 2)
    quantized_st = latents + jax.lax.stop_gradient(quantized - latents)
    # perplexity of codebook usage
    counts = jnp.bincount(codes_flat, minlength=NUM_CODES, length=NUM_CODES).astype(jnp.float32)
    probs = counts / jnp.sum(counts)
    entropy = -jnp.sum(probs * jnp.log(probs + 1e-10))
    perplexity = jnp.exp(entropy)
    return (quantized_st, codes, commitment_loss * COMMITMENT_COST, codebook_loss, perplexity)

if __name__ == "__main__":
    import jax
    _d = setup_inputs()
    print(jax.jit(kernel)(*tuple(_d.values())))

</pallas_src>

<mosaic_0001>
#map = affine_map<(d0, d1) -> (0, 0)>
#map1 = affine_map<(d0, d1) -> (0)>
module attributes {stable_mosaic.version = 14 : i64} {
  func.func @k(%arg0: i32, %arg1: i32, %arg2: memref<8192x256xf32, #tpu.memory_space<hbm>>, %arg3: memref<9216xi32, #tpu.memory_space<hbm>>, %arg4: memref<8192xf32, #tpu.memory_space<hbm>>, %arg5: memref<96xf32, #tpu.memory_space<hbm>>, %arg6: memref<9216x256xf32, #tpu.memory_space<hbm>>, %arg7: memref<2x8192xf32, #tpu.memory_space<hbm>>, %arg8: memref<3x96xi32, #tpu.memory_space<vmem>>, %arg9: memref<96x256xf32, #tpu.memory_space<vmem>>, %arg10: memref<96xf32, #tpu.memory_space<vmem>>, %arg11: memref<8192xf32, #tpu.memory_space<vmem_shared>>, %arg12: memref<!tpu.dma_semaphore, #tpu.memory_space<semaphore_mem>>) attributes {dimension_semantics = [#tpu.dimension_semantics<core_parallel>, #tpu.dimension_semantics<subcore_parallel>], iteration_bounds = array<i64: 2, 16>, scalar_prefetch = 0 : i64, scratch_operands = 5 : i64, tpu.core_type = #tpu.core_type<sc_vector_subcore>, window_params = [{transform_indices = #map}, {transform_indices = #map1}, {transform_indices = #map1}, {transform_indices = #map1}, {transform_indices = #map}, {transform_indices = #map}]} {
    %mul3A = arith.constant 2 : i32
    %mul3A_0 = arith.muli %arg1, %mul3A : i32
    %add3A = arith.addi %mul3A_0, %arg0 : i32
    %mul3A_1 = arith.constant 288 : i32
    %mul3A_2 = arith.muli %add3A, %mul3A_1 : i32
    %add3A_3 = arith.constant 0 : i32
    %add3A_4 = arith.addi %mul3A_2, %add3A_3 : i32
    %run_scoped3A = arith.constant 0 : i32
    "tpu.region"() ({
      %run_scoped3A_68 = tpu.sem_alloc : memref<!tpu.dma_semaphore, #tpu.memory_space<semaphore_mem>>
      %dma_start3A_69 = arith.constant 0 : i32
      %dma_start3A_70 = tpu.memref_slice %arg8[%run_scoped3A, %dma_start3A_69] : memref<3x96xi32, #tpu.memory_space<vmem>> -> memref<1x96xi32, #tpu.memory_space<vmem>>
      %dma_start3A_71 = tpu.memref_squeeze %dma_start3A_70 : memref<1x96xi32, #tpu.memory_space<vmem>> -> memref<96xi32, #tpu.memory_space<vmem>>
      %dma_start3A_72 = tpu.memref_slice %arg3[%add3A_4] : memref<9216xi32, #tpu.memory_space<hbm>> -> memref<96xi32, #tpu.memory_space<hbm>>
      %dma_start3A_73 = arith.constant 0 : i32
      %dma_start3A_74 = tpu.memref_slice %arg8[%run_scoped3A, %dma_start3A_73] : memref<3x96xi32, #tpu.memory_space<vmem>> -> memref<1x96xi32, #tpu.memory_space<vmem>>
      %dma_start3A_75 = tpu.memref_squeeze %dma_start3A_74 : memref<1x96xi32, #tpu.memory_space<vmem>> -> memref<96xi32, #tpu.memory_space<vmem>>
      %dma_start3A_76 = tpu.memref_slice %arg3[%add3A_4] : memref<9216xi32, #tpu.memory_space<hbm>> -> memref<96xi32, #tpu.memory_space<hbm>>
      tpu.enqueue_dma source(%dma_start3A_76 : memref<96xi32, #tpu.memory_space<hbm>>) target(%dma_start3A_75 : memref<96xi32, #tpu.memory_space<vmem>>) target_semaphore(%run_scoped3A_68 : memref<!tpu.dma_semaphore, #tpu.memory_space<semaphore_mem>>)
      %dma_wait3A_77 = arith.constant 0 : i32
      %dma_wait3A_78 = tpu.memref_slice %arg8[%run_scoped3A, %dma_wait3A_77] : memref<3x96xi32, #tpu.memory_space<vmem>> -> memref<1x96xi32, #tpu.memory_space<vmem>>
      %dma_wait3A_79 = tpu.memref_squeeze %dma_wait3A_78 : memref<1x96xi32, #tpu.memory_space<vmem>> -> memref<96xi32, #tpu.memory_space<vmem>>
      %dma_wait3A_80 = tpu.memref_slice %arg3[%add3A_4] : memref<9216xi32, #tpu.memory_space<hbm>> -> memref<96xi32, #tpu.memory_space<hbm>>
      %dma_wait3A_81 = arith.constant 0 : i32
      %dma_wait3A_82 = tpu.memref_slice %arg8[%run_scoped3A, %dma_wait3A_81] : memref<3x96xi32, #tpu.memory_space<vmem>> -> memref<1x96xi32, #tpu.memory_space<vmem>>
      %dma_wait3A_83 = tpu.memref_squeeze %dma_wait3A_82 : memref<1x96xi32, #tpu.memory_space<vmem>> -> memref<96xi32, #tpu.memory_space<vmem>>
      %dma_wait3A_84 = tpu.memref_slice %arg3[%add3A_4] : memref<9216xi32, #tpu.memory_space<hbm>> -> memref<96xi32, #tpu.memory_space<hbm>>
      tpu.wait_dma2 semaphore(%run_scoped3A_68 : memref<!tpu.dma_semaphore, #tpu.memory_space<semaphore_mem>>) src(%dma_wait3A_84 : memref<96xi32, #tpu.memory_space<hbm>>) dst(%dma_wait3A_83 : memref<96xi32, #tpu.memory_space<vmem>>)
      tpu.yield
    }) : () -> ()
    %dma_start3A = arith.constant 0 : i32
    %dma_start3A_5 = arith.constant 0 : i32
    %dma_start3A_6 = tpu.memref_slice %arg8[%dma_start3A, %dma_start3A_5] : memref<3x96xi32, #tpu.memory_space<vmem>> -> memref<1x96xi32, #tpu.memory_space<vmem>>
    %dma_start3A_7 = tpu.memref_squeeze %dma_start3A_6 : memref<1x96xi32, #tpu.memory_space<vmem>> -> memref<96xi32, #tpu.memory_space<vmem>>
    %dma_start3A_8 = arith.constant 0 : i32
    %dma_start3A_9 = arith.constant 0 : i32
    %dma_start3A_10 = tpu.memref_slice %arg2[%dma_start3A_8, %dma_start3A_9] : memref<8192x256xf32, #tpu.memory_space<hbm>> -> memref<8192x256xf32, #tpu.memory_space<hbm>>
    tpu.enqueue_indirect_dma source(%dma_start3A_10 : memref<8192x256xf32, #tpu.memory_space<hbm>>) target(%arg9 : memref<96x256xf32, #tpu.memory_space<vmem>>) offsets(%dma_start3A_7 : memref<96xi32, #tpu.memory_space<vmem>>) semaphore(%arg12 : memref<!tpu.dma_semaphore, #tpu.memory_space<semaphore_mem>>)
    %dma_wait3A = arith.constant 0 : i32
    %dma_wait3A_11 = arith.constant 0 : i32
    %dma_wait3A_12 = tpu.memref_slice %arg8[%dma_wait3A, %dma_wait3A_11] : memref<3x96xi32, #tpu.memory_space<vmem>> -> memref<1x96xi32, #tpu.memory_space<vmem>>
    %dma_wait3A_13 = tpu.memref_squeeze %dma_wait3A_12 : memref<1x96xi32, #tpu.memory_space<vmem>> -> memref<96xi32, #tpu.memory_space<vmem>>
    %dma_wait3A_14 = arith.constant 0 : i32
    %dma_wait3A_15 = arith.constant 0 : i32
    %dma_wait3A_16 = tpu.memref_slice %arg2[%dma_wait3A_14, %dma_wait3A_15] : memref<8192x256xf32, #tpu.memory_space<hbm>> -> memref<8192x256xf32, #tpu.memory_space<hbm>>
    tpu.wait_indirect_dma semaphore(%arg12 : memref<!tpu.dma_semaphore, #tpu.memory_space<semaphore_mem>>) src(%dma_wait3A_16 : memref<8192x256xf32, #tpu.memory_space<hbm>>) dst(%arg9 : memref<96x256xf32, #tpu.memory_space<vmem>>)
    %add3A_17 = arith.constant 0 : i32
    %add3A_18 = arith.addi %mul3A_2, %add3A_17 : i32
    "tpu.region"() ({
      %run_scoped3A_68 = tpu.sem_alloc : memref<!tpu.dma_semaphore, #tpu.memory_space<semaphore_mem>>
      %dma_start3A_69 = arith.constant 0 : i32
      %dma_start3A_70 = tpu.memref_slice %arg6[%add3A_18, %dma_start3A_69] : memref<9216x256xf32, #tpu.memory_space<hbm>> -> memref<96x256xf32, #tpu.memory_space<hbm>>
      %dma_start3A_71 = arith.constant 0 : i32
      %dma_start3A_72 = tpu.memref_slice %arg6[%add3A_18, %dma_start3A_71] : memref<9216x256xf32, #tpu.memory_space<hbm>> -> memref<96x256xf32, #tpu.memory_space<hbm>>
      tpu.enqueue_dma source(%arg9 : memref<96x256xf32, #tpu.memory_space<vmem>>) target(%dma_start3A_72 : memref<96x256xf32, #tpu.memory_space<hbm>>) target_semaphore(%run_scoped3A_68 : memref<!tpu.dma_semaphore, #tpu.memory_space<semaphore_mem>>)
      %dma_wait3A_73 = arith.constant 0 : i32
      %dma_wait3A_74 = tpu.memref_slice %arg6[%add3A_18, %dma_wait3A_73] : memref<9216x256xf32, #tpu.memory_space<hbm>> -> memref<96x256xf32, #tpu.memory_space<hbm>>
      %dma_wait3A_75 = arith.constant 0 : i32
      %dma_wait3A_76 = tpu.memref_slice %arg6[%add3A_18, %dma_wait3A_75] : memref<9216x256xf32, #tpu.memory_space<hbm>> -> memref<96x256xf32, #tpu.memory_space<hbm>>
      tpu.wait_dma2 semaphore(%run_scoped3A_68 : memref<!tpu.dma_semaphore, #tpu.memory_space<semaphore_mem>>) src(%arg9 : memref<96x256xf32, #tpu.memory_space<vmem>>) dst(%dma_wait3A_76 : memref<96x256xf32, #tpu.memory_space<hbm>>)
      tpu.yield
    }) : () -> ()
    %add3A_19 = arith.constant 96 : i32
    %add3A_20 = arith.addi %mul3A_2, %add3A_19 : i32
    %run_scoped3A_21 = arith.constant 1 : i32
    "tpu.region"() ({
      %run_scoped3A_68 = tpu.sem_alloc : memref<!tpu.dma_semaphore, #tpu.memory_space<semaphore_mem>>
      %dma_start3A_69 = arith.constant 0 : i32
      %dma_start3A_70 = tpu.memref_slice %arg8[%run_scoped3A_21, %dma_start3A_69] : memref<3x96xi32, #tpu.memory_space<vmem>> -> memref<1x96xi32, #tpu.memory_space<vmem>>
      %dma_start3A_71 = tpu.memref_squeeze %dma_start3A_70 : memref<1x96xi32, #tpu.memory_space<vmem>> -> memref<96xi32, #tpu.memory_space<vmem>>
      %dma_start3A_72 = tpu.memref_slice %arg3[%add3A_20] : memref<9216xi32, #tpu.memory_space<hbm>> -> memref<96xi32, #tpu.memory_space<hbm>>
      %dma_start3A_73 = arith.constant 0 : i32
      %dma_start3A_74 = tpu.memref_slice %arg8[%run_scoped3A_21, %dma_start3A_73] : memref<3x96xi32, #tpu.memory_space<vmem>> -> memref<1x96xi32, #tpu.memory_space<vmem>>
      %dma_start3A_75 = tpu.memref_squeeze %dma_start3A_74 : memref<1x96xi32, #tpu.memory_space<vmem>> -> memref<96xi32, #tpu.memory_space<vmem>>
      %dma_start3A_76 = tpu.memref_slice %arg3[%add3A_20] : memref<9216xi32, #tpu.memory_space<hbm>> -> memref<96xi32, #tpu.memory_space<hbm>>
      tpu.enqueue_dma source(%dma_start3A_76 : memref<96xi32, #tpu.memory_space<hbm>>) target(%dma_start3A_75 : memref<96xi32, #tpu.memory_space<vmem>>) target_semaphore(%run_scoped3A_68 : memref<!tpu.dma_semaphore, #tpu.memory_space<semaphore_mem>>)
      %dma_wait3A_77 = arith.constant 0 : i32
      %dma_wait3A_78 = tpu.memref_slice %arg8[%run_scoped3A_21, %dma_wait3A_77] : memref<3x96xi32, #tpu.memory_space<vmem>> -> memref<1x96xi32, #tpu.memory_space<vmem>>
      %dma_wait3A_79 = tpu.memref_squeeze %dma_wait3A_78 : memref<1x96xi32, #tpu.memory_space<vmem>> -> memref<96xi32, #tpu.memory_space<vmem>>
      %dma_wait3A_80 = tpu.memref_slice %arg3[%add3A_20] : memref<9216xi32, #tpu.memory_space<hbm>> -> memref<96xi32, #tpu.memory_space<hbm>>
      %dma_wait3A_81 = arith.constant 0 : i32
      %dma_wait3A_82 = tpu.memref_slice %arg8[%run_scoped3A_21, %dma_wait3A_81] : memref<3x96xi32, #tpu.memory_space<vmem>> -> memref<1x96xi32, #tpu.memory_space<vmem>>
      %dma_wait3A_83 = tpu.memref_squeeze %dma_wait3A_82 : memref<1x96xi32, #tpu.memory_space<vmem>> -> memref<96xi32, #tpu.memory_space<vmem>>
      %dma_wait3A_84 = tpu.memref_slice %arg3[%add3A_20] : memref<9216xi32, #tpu.memory_space<hbm>> -> memref<96xi32, #tpu.memory_space<hbm>>
      tpu.wait_dma2 semaphore(%run_scoped3A_68 : memref<!tpu.dma_semaphore, #tpu.memory_space<semaphore_mem>>) src(%dma_wait3A_84 : memref<96xi32, #tpu.memory_space<hbm>>) dst(%dma_wait3A_83 : memref<96xi32, #tpu.memory_space<vmem>>)
      tpu.yield
    }) : () -> ()
    %dma_start3A_22 = arith.constant 1 : i32
    %dma_start3A_23 = arith.constant 0 : i32
    %dma_start3A_24 = tpu.memref_slice %arg8[%dma_start3A_22, %dma_start3A_23] : memref<3x96xi32, #tpu.memory_space<vmem>> -> memref<1x96xi32, #tpu.memory_space<vmem>>
    %dma_start3A_25 = tpu.memref_squeeze %dma_start3A_24 : memref<1x96xi32, #tpu.memory_space<vmem>> -> memref<96xi32, #tpu.memory_space<vmem>>
    %dma_start3A_26 = arith.constant 0 : i32
    %dma_start3A_27 = arith.constant 0 : i32
    %dma_start3A_28 = tpu.memref_slice %arg2[%dma_start3A_26, %dma_start3A_27] : memref<8192x256xf32, #tpu.memory_space<hbm>> -> memref<8192x256xf32, #tpu.memory_space<hbm>>
    tpu.enqueue_indirect_dma source(%dma_start3A_28 : memref<8192x256xf32, #tpu.memory_space<hbm>>) target(%arg9 : memref<96x256xf32, #tpu.memory_space<vmem>>) offsets(%dma_start3A_25 : memref<96xi32, #tpu.memory_space<vmem>>) semaphore(%arg12 : memref<!tpu.dma_semaphore, #tpu.memory_space<semaphore_mem>>)
    %dma_wait3A_29 = arith.constant 1 : i32
    %dma_wait3A_30 = arith.constant 0 : i32
    %dma_wait3A_31 = tpu.memref_slice %arg8[%dma_wait3A_29, %dma_wait3A_30] : memref<3x96xi32, #tpu.memory_space<vmem>> -> memref<1x96xi32, #tpu.memory_space<vmem>>
    %dma_wait3A_32 = tpu.memref_squeeze %dma_wait3A_31 : memref<1x96xi32, #tpu.memory_space<vmem>> -> memref<96xi32, #tpu.memory_space<vmem>>
    %dma_wait3A_33 = arith.constant 0 : i32
    %dma_wait3A_34 = arith.constant 0 : i32
    %dma_wait3A_35 = tpu.memref_slice %arg2[%dma_wait3A_33, %dma_wait3A_34] : memref<8192x256xf32, #tpu.memory_space<hbm>> -> memref<8192x256xf32, #tpu.memory_space<hbm>>
    tpu.wait_indirect_dma semaphore(%arg12 : memref<!tpu.dma_semaphore, #tpu.memory_space<semaphore_mem>>) src(%dma_wait3A_35 : memref<8192x256xf32, #tpu.memory_space<hbm>>) dst(%arg9 : memref<96x256xf32, #tpu.memory_space<vmem>>)
    %add3A_36 = arith.constant 96 : i32
    %add3A_37 = arith.addi %mul3A_2, %add3A_36 : i32
    "tpu.region"() ({
      %run_scoped3A_68 = tpu.sem_alloc : memref<!tpu.dma_semaphore, #tpu.memory_space<semaphore_mem>>
      %dma_start3A_69 = arith.constant 0 : i32
      %dma_start3A_70 = tpu.memref_slice %arg6[%add3A_37, %dma_start3A_69] : memref<9216x256xf32, #tpu.memory_space<hbm>> -> memref<96x256xf32, #tpu.memory_space<hbm>>
      %dma_start3A_71 = arith.constant 0 : i32
      %dma_start3A_72 = tpu.memref_slice %arg6[%add3A_37, %dma_start3A_71] : memref<9216x256xf32, #tpu.memory_space<hbm>> -> memref<96x256xf32, #tpu.memory_space<hbm>>
      tpu.enqueue_dma source(%arg9 : memref<96x256xf32, #tpu.memory_space<vmem>>) target(%dma_start3A_72 : memref<96x256xf32, #tpu.memory_space<hbm>>) target_semaphore(%run_scoped3A_68 : memref<!tpu.dma_semaphore, #tpu.memory_space<semaphore_mem>>)
      %dma_wait3A_73 = arith.constant 0 : i32
      %dma_wait3A_74 = tpu.memref_slice %arg6[%add3A_37, %dma_wait3A_73] : memref<9216x256xf32, #tpu.memory_space<hbm>> -> memref<96x256xf32, #tpu.memory_space<hbm>>
      %dma_wait3A_75 = arith.constant 0 : i32
      %dma_wait3A_76 = tpu.memref_slice %arg6[%add3A_37, %dma_wait3A_75] : memref<9216x256xf32, #tpu.memory_space<hbm>> -> memref<96x256xf32, #tpu.memory_space<hbm>>
      tpu.wait_dma2 semaphore(%run_scoped3A_68 : memref<!tpu.dma_semaphore, #tpu.memory_space<semaphore_mem>>) src(%arg9 : memref<96x256xf32, #tpu.memory_space<vmem>>) dst(%dma_wait3A_76 : memref<96x256xf32, #tpu.memory_space<hbm>>)
      tpu.yield
    }) : () -> ()
    %add3A_38 = arith.constant 192 : i32
    %add3A_39 = arith.addi %mul3A_2, %add3A_38 : i32
    %run_scoped3A_40 = arith.constant 2 : i32
    "tpu.region"() ({
      %run_scoped3A_68 = tpu.sem_alloc : memref<!tpu.dma_semaphore, #tpu.memory_space<semaphore_mem>>
      %dma_start3A_69 = arith.constant 0 : i32
      %dma_start3A_70 = tpu.memref_slice %arg8[%run_scoped3A_40, %dma_start3A_69] : memref<3x96xi32, #tpu.memory_space<vmem>> -> memref<1x96xi32, #tpu.memory_space<vmem>>
      %dma_start3A_71 = tpu.memref_squeeze %dma_start3A_70 : memref<1x96xi32, #tpu.memory_space<vmem>> -> memref<96xi32, #tpu.memory_space<vmem>>
      %dma_start3A_72 = tpu.memref_slice %arg3[%add3A_39] : memref<9216xi32, #tpu.memory_space<hbm>> -> memref<96xi32, #tpu.memory_space<hbm>>
      %dma_start3A_73 = arith.constant 0 : i32
      %dma_start3A_74 = tpu.memref_slice %arg8[%run_scoped3A_40, %dma_start3A_73] : memref<3x96xi32, #tpu.memory_space<vmem>> -> memref<1x96xi32, #tpu.memory_space<vmem>>
      %dma_start3A_75 = tpu.memref_squeeze %dma_start3A_74 : memref<1x96xi32, #tpu.memory_space<vmem>> -> memref<96xi32, #tpu.memory_space<vmem>>
      %dma_start3A_76 = tpu.memref_slice %arg3[%add3A_39] : memref<9216xi32, #tpu.memory_space<hbm>> -> memref<96xi32, #tpu.memory_space<hbm>>
      tpu.enqueue_dma source(%dma_start3A_76 : memref<96xi32, #tpu.memory_space<hbm>>) target(%dma_start3A_75 : memref<96xi32, #tpu.memory_space<vmem>>) target_semaphore(%run_scoped3A_68 : memref<!tpu.dma_semaphore, #tpu.memory_space<semaphore_mem>>)
      %dma_wait3A_77 = arith.constant 0 : i32
      %dma_wait3A_78 = tpu.memref_slice %arg8[%run_scoped3A_40, %dma_wait3A_77] : memref<3x96xi32, #tpu.memory_space<vmem>> -> memref<1x96xi32, #tpu.memory_space<vmem>>
      %dma_wait3A_79 = tpu.memref_squeeze %dma_wait3A_78 : memref<1x96xi32, #tpu.memory_space<vmem>> -> memref<96xi32, #tpu.memory_space<vmem>>
      %dma_wait3A_80 = tpu.memref_slice %arg3[%add3A_39] : memref<9216xi32, #tpu.memory_space<hbm>> -> memref<96xi32, #tpu.memory_space<hbm>>
      %dma_wait3A_81 = arith.constant 0 : i32
      %dma_wait3A_82 = tpu.memref_slice %arg8[%run_scoped3A_40, %dma_wait3A_81] : memref<3x96xi32, #tpu.memory_space<vmem>> -> memref<1x96xi32, #tpu.memory_space<vmem>>
      %dma_wait3A_83 = tpu.memref_squeeze %dma_wait3A_82 : memref<1x96xi32, #tpu.memory_space<vmem>> -> memref<96xi32, #tpu.memory_space<vmem>>
      %dma_wait3A_84 = tpu.memref_slice %arg3[%add3A_39] : memref<9216xi32, #tpu.memory_space<hbm>> -> memref<96xi32, #tpu.memory_space<hbm>>
      tpu.wait_dma2 semaphore(%run_scoped3A_68 : memref<!tpu.dma_semaphore, #tpu.memory_space<semaphore_mem>>) src(%dma_wait3A_84 : memref<96xi32, #tpu.memory_space<hbm>>) dst(%dma_wait3A_83 : memref<96xi32, #tpu.memory_space<vmem>>)
      tpu.yield
    }) : () -> ()
    %dma_start3A_41 = arith.constant 2 : i32
    %dma_start3A_42 = arith.constant 0 : i32
    %dma_start3A_43 = tpu.memref_slice %arg8[%dma_start3A_41, %dma_start3A_42] : memref<3x96xi32, #tpu.memory_space<vmem>> -> memref<1x96xi32, #tpu.memory_space<vmem>>
    %dma_start3A_44 = tpu.memref_squeeze %dma_start3A_43 : memref<1x96xi32, #tpu.memory_space<vmem>> -> memref<96xi32, #tpu.memory_space<vmem>>
    %dma_start3A_45 = arith.constant 0 : i32
    %dma_start3A_46 = arith.constant 0 : i32
    %dma_start3A_47 = tpu.memref_slice %arg2[%dma_start3A_45, %dma_start3A_46] : memref<8192x256xf32, #tpu.memory_space<hbm>> -> memref<8192x256xf32, #tpu.memory_space<hbm>>
    tpu.enqueue_indirect_dma source(%dma_start3A_47 : memref<8192x256xf32, #tpu.memory_space<hbm>>) target(%arg9 : memref<96x256xf32, #tpu.memory_space<vmem>>) offsets(%dma_start3A_44 : memref<96xi32, #tpu.memory_space<vmem>>) semaphore(%arg12 : memref<!tpu.dma_semaphore, #tpu.memory_space<semaphore_mem>>)
    %dma_wait3A_48 = arith.constant 2 : i32
    %dma_wait3A_49 = arith.constant 0 : i32
    %dma_wait3A_50 = tpu.memref_slice %arg8[%dma_wait3A_48, %dma_wait3A_49] : memref<3x96xi32, #tpu.memory_space<vmem>> -> memref<1x96xi32, #tpu.memory_space<vmem>>
    %dma_wait3A_51 = tpu.memref_squeeze %dma_wait3A_50 : memref<1x96xi32, #tpu.memory_space<vmem>> -> memref<96xi32, #tpu.memory_space<vmem>>
    %dma_wait3A_52 = arith.constant 0 : i32
    %dma_wait3A_53 = arith.constant 0 : i32
    %dma_wait3A_54 = tpu.memref_slice %arg2[%dma_wait3A_52, %dma_wait3A_53] : memref<8192x256xf32, #tpu.memory_space<hbm>> -> memref<8192x256xf32, #tpu.memory_space<hbm>>
    tpu.wait_indirect_dma semaphore(%arg12 : memref<!tpu.dma_semaphore, #tpu.memory_space<semaphore_mem>>) src(%dma_wait3A_54 : memref<8192x256xf32, #tpu.memory_space<hbm>>) dst(%arg9 : memref<96x256xf32, #tpu.memory_space<vmem>>)
    %add3A_55 = arith.constant 192 : i32
    %add3A_56 = arith.addi %mul3A_2, %add3A_55 : i32
    "tpu.region"() ({
      %run_scoped3A_68 = tpu.sem_alloc : memref<!tpu.dma_semaphore, #tpu.memory_space<semaphore_mem>>
      %dma_start3A_69 = arith.constant 0 : i32
      %dma_start3A_70 = tpu.memref_slice %arg6[%add3A_56, %dma_start3A_69] : memref<9216x256xf32, #tpu.memory_space<hbm>> -> memref<96x256xf32, #tpu.memory_space<hbm>>
      %dma_start3A_71 = arith.constant 0 : i32
      %dma_start3A_72 = tpu.memref_slice %arg6[%add3A_56, %dma_start3A_71] : memref<9216x256xf32, #tpu.memory_space<hbm>> -> memref<96x256xf32, #tpu.memory_space<hbm>>
      tpu.enqueue_dma source(%arg9 : memref<96x256xf32, #tpu.memory_space<vmem>>) target(%dma_start3A_72 : memref<96x256xf32, #tpu.memory_space<hbm>>) target_semaphore(%run_scoped3A_68 : memref<!tpu.dma_semaphore, #tpu.memory_space<semaphore_mem>>)
      %dma_wait3A_73 = arith.constant 0 : i32
      %dma_wait3A_74 = tpu.memref_slice %arg6[%add3A_56, %dma_wait3A_73] : memref<9216x256xf32, #tpu.memory_space<hbm>> -> memref<96x256xf32, #tpu.memory_space<hbm>>
      %dma_wait3A_75 = arith.constant 0 : i32
      %dma_wait3A_76 = tpu.memref_slice %arg6[%add3A_56, %dma_wait3A_75] : memref<9216x256xf32, #tpu.memory_space<hbm>> -> memref<96x256xf32, #tpu.memory_space<hbm>>
      tpu.wait_dma2 semaphore(%run_scoped3A_68 : memref<!tpu.dma_semaphore, #tpu.memory_space<semaphore_mem>>) src(%arg9 : memref<96x256xf32, #tpu.memory_space<vmem>>) dst(%dma_wait3A_76 : memref<96x256xf32, #tpu.memory_space<hbm>>)
      tpu.yield
    }) : () -> ()
    "tpu.region"() ({
      %run_scoped3A_68 = tpu.sem_alloc : memref<!tpu.dma_semaphore, #tpu.memory_space<semaphore_mem>>
      tpu.enqueue_dma source(%arg5 : memref<96xf32, #tpu.memory_space<hbm>>) target(%arg10 : memref<96xf32, #tpu.memory_space<vmem>>) target_semaphore(%run_scoped3A_68 : memref<!tpu.dma_semaphore, #tpu.memory_space<semaphore_mem>>)
      tpu.wait_dma2 semaphore(%run_scoped3A_68 : memref<!tpu.dma_semaphore, #tpu.memory_space<semaphore_mem>>) src(%arg5 : memref<96xf32, #tpu.memory_space<hbm>>) dst(%arg10 : memref<96xf32, #tpu.memory_space<vmem>>)
      tpu.yield
    }) : () -> ()
    %eq3A = arith.constant 0 : i32
    %eq3A_57 = arith.cmpi eq, %arg1, %eq3A : i32
    %convert_element_type3A = arith.extui %eq3A_57 : i1 to i32
    %cond3A = arith.constant 0 : i32
    %cond3A_58 = arith.cmpi ne, %convert_element_type3A, %cond3A : i32
    scf.if %cond3A_58 {
      "tpu.region"() ({
        %run_scoped3A_68 = tpu.sem_alloc : memref<!tpu.dma_semaphore, #tpu.memory_space<semaphore_mem>>
        tpu.enqueue_dma source(%arg4 : memref<8192xf32, #tpu.memory_space<hbm>>) target(%arg11 : memref<8192xf32, #tpu.memory_space<vmem_shared>>) target_semaphore(%run_scoped3A_68 : memref<!tpu.dma_semaphore, #tpu.memory_space<semaphore_mem>>)
        tpu.wait_dma2 semaphore(%run_scoped3A_68 : memref<!tpu.dma_semaphore, #tpu.memory_space<semaphore_mem>>) src(%arg4 : memref<8192xf32, #tpu.memory_space<hbm>>) dst(%arg11 : memref<8192xf32, #tpu.memory_space<vmem_shared>>)
        tpu.yield
      }) : () -> ()
    } else {
    }
    %barrier3A = arith.constant 0 : index
    tpu.barrier barrier_id(%barrier3A)
    %run_scoped3A_59 = arith.constant 0 : i32
    "tpu.region"() ({
      %run_scoped3A_68 = tpu.sem_alloc : memref<!tpu.dma_semaphore, #tpu.memory_space<semaphore_mem>>
      %dma_start3A_69 = arith.constant 0 : i32
      %dma_start3A_70 = tpu.memref_slice %arg8[%run_scoped3A_59, %dma_start3A_69] : memref<3x96xi32, #tpu.memory_space<vmem>> -> memref<1x96xi32, #tpu.memory_space<vmem>>
      %dma_start3A_71 = tpu.memref_squeeze %dma_start3A_70 : memref<1x96xi32, #tpu.memory_space<vmem>> -> memref<96xi32, #tpu.memory_space<vmem>>
      %dma_start3A_72 = arith.constant 0 : i32
      %dma_start3A_73 = tpu.memref_slice %arg11[%dma_start3A_72] : memref<8192xf32, #tpu.memory_space<vmem_shared>> -> memref<8192xf32, #tpu.memory_space<vmem_shared>>
      tpu.enqueue_indirect_dma source(%arg10 : memref<96xf32, #tpu.memory_space<vmem>>) target(%dma_start3A_73 : memref<8192xf32, #tpu.memory_space<vmem_shared>>) offsets(%dma_start3A_71 : memref<96xi32, #tpu.memory_space<vmem>>) semaphore(%run_scoped3A_68 : memref<!tpu.dma_semaphore, #tpu.memory_space<semaphore_mem>>) {add = true}
      %dma_wait3A_74 = arith.constant 0 : i32
      %dma_wait3A_75 = tpu.memref_slice %arg8[%run_scoped3A_59, %dma_wait3A_74] : memref<3x96xi32, #tpu.memory_space<vmem>> -> memref<1x96xi32, #tpu.memory_space<vmem>>
      %dma_wait3A_76 = tpu.memref_squeeze %dma_wait3A_75 : memref<1x96xi32, #tpu.memory_space<vmem>> -> memref<96xi32, #tpu.memory_space<vmem>>
      %dma_wait3A_77 = arith.constant 0 : i32
      %dma_wait3A_78 = tpu.memref_slice %arg11[%dma_wait3A_77] : memref<8192xf32, #tpu.memory_space<vmem_shared>> -> memref<8192xf32, #tpu.memory_space<vmem_shared>>
      tpu.wait_indirect_dma semaphore(%run_scoped3A_68 : memref<!tpu.dma_semaphore, #tpu.memory_space<semaphore_mem>>) src(%arg10 : memref<96xf32, #tpu.memory_space<vmem>>) dst(%dma_wait3A_78 : memref<8192xf32, #tpu.memory_space<vmem_shared>>)
      tpu.yield
    }) : () -> ()
    %run_scoped3A_60 = arith.constant 1 : i32
    "tpu.region"() ({
      %run_scoped3A_68 = tpu.sem_alloc : memref<!tpu.dma_semaphore, #tpu.memory_space<semaphore_mem>>
      %dma_start3A_69 = arith.constant 0 : i32
      %dma_start3A_70 = tpu.memref_slice %arg8[%run_scoped3A_60, %dma_start3A_69] : memref<3x96xi32, #tpu.memory_space<vmem>> -> memref<1x96xi32, #tpu.memory_space<vmem>>
      %dma_start3A_71 = tpu.memref_squeeze %dma_start3A_70 : memref<1x96xi32, #tpu.memory_space<vmem>> -> memref<96xi32, #tpu.memory_space<vmem>>
      %dma_start3A_72 = arith.constant 0 : i32
      %dma_start3A_73 = tpu.memref_slice %arg11[%dma_start3A_72] : memref<8192xf32, #tpu.memory_space<vmem_shared>> -> memref<8192xf32, #tpu.memory_space<vmem_shared>>
      tpu.enqueue_indirect_dma source(%arg10 : memref<96xf32, #tpu.memory_space<vmem>>) target(%dma_start3A_73 : memref<8192xf32, #tpu.memory_space<vmem_shared>>) offsets(%dma_start3A_71 : memref<96xi32, #tpu.memory_space<vmem>>) semaphore(%run_scoped3A_68 : memref<!tpu.dma_semaphore, #tpu.memory_space<semaphore_mem>>) {add = true}
      %dma_wait3A_74 = arith.constant 0 : i32
      %dma_wait3A_75 = tpu.memref_slice %arg8[%run_scoped3A_60, %dma_wait3A_74] : memref<3x96xi32, #tpu.memory_space<vmem>> -> memref<1x96xi32, #tpu.memory_space<vmem>>
      %dma_wait3A_76 = tpu.memref_squeeze %dma_wait3A_75 : memref<1x96xi32, #tpu.memory_space<vmem>> -> memref<96xi32, #tpu.memory_space<vmem>>
      %dma_wait3A_77 = arith.constant 0 : i32
      %dma_wait3A_78 = tpu.memref_slice %arg11[%dma_wait3A_77] : memref<8192xf32, #tpu.memory_space<vmem_shared>> -> memref<8192xf32, #tpu.memory_space<vmem_shared>>
      tpu.wait_indirect_dma semaphore(%run_scoped3A_68 : memref<!tpu.dma_semaphore, #tpu.memory_space<semaphore_mem>>) src(%arg10 : memref<96xf32, #tpu.memory_space<vmem>>) dst(%dma_wait3A_78 : memref<8192xf32, #tpu.memory_space<vmem_shared>>)
      tpu.yield
    }) : () -> ()
    %run_scoped3A_61 = arith.constant 2 : i32
    "tpu.region"() ({
      %run_scoped3A_68 = tpu.sem_alloc : memref<!tpu.dma_semaphore, #tpu.memory_space<semaphore_mem>>
      %dma_start3A_69 = arith.constant 0 : i32
      %dma_start3A_70 = tpu.memref_slice %arg8[%run_scoped3A_61, %dma_start3A_69] : memref<3x96xi32, #tpu.memory_space<vmem>> -> memref<1x96xi32, #tpu.memory_space<vmem>>
      %dma_start3A_71 = tpu.memref_squeeze %dma_start3A_70 : memref<1x96xi32, #tpu.memory_space<vmem>> -> memref<96xi32, #tpu.memory_space<vmem>>
      %dma_start3A_72 = arith.constant 0 : i32
      %dma_start3A_73 = tpu.memref_slice %arg11[%dma_start3A_72] : memref<8192xf32, #tpu.memory_space<vmem_shared>> -> memref<8192xf32, #tpu.memory_space<vmem_shared>>
      tpu.enqueue_indirect_dma source(%arg10 : memref<96xf32, #tpu.memory_space<vmem>>) target(%dma_start3A_73 : memref<8192xf32, #tpu.memory_space<vmem_shared>>) offsets(%dma_start3A_71 : memref<96xi32, #tpu.memory_space<vmem>>) semaphore(%run_scoped3A_68 : memref<!tpu.dma_semaphore, #tpu.memory_space<semaphore_mem>>) {add = true}
      %dma_wait3A_74 = arith.constant 0 : i32
      %dma_wait3A_75 = tpu.memref_slice %arg8[%run_scoped3A_61, %dma_wait3A_74] : memref<3x96xi32, #tpu.memory_space<vmem>> -> memref<1x96xi32, #tpu.memory_space<vmem>>
      %dma_wait3A_76 = tpu.memref_squeeze %dma_wait3A_75 : memref<1x96xi32, #tpu.memory_space<vmem>> -> memref<96xi32, #tpu.memory_space<vmem>>
      %dma_wait3A_77 = arith.constant 0 : i32
      %dma_wait3A_78 = tpu.memref_slice %arg11[%dma_wait3A_77] : memref<8192xf32, #tpu.memory_space<vmem_shared>> -> memref<8192xf32, #tpu.memory_space<vmem_shared>>
      tpu.wait_indirect_dma semaphore(%run_scoped3A_68 : memref<!tpu.dma_semaphore, #tpu.memory_space<semaphore_mem>>) src(%arg10 : memref<96xf32, #tpu.memory_space<vmem>>) dst(%dma_wait3A_78 : memref<8192xf32, #tpu.memory_space<vmem_shared>>)
      tpu.yield
    }) : () -> ()
    %barrier3A_62 = arith.constant 0 : index
    tpu.barrier barrier_id(%barrier3A_62)
    %eq3A_63 = arith.constant 0 : i32
    %eq3A_64 = arith.cmpi eq, %arg1, %eq3A_63 : i32
    %convert_element_type3A_65 = arith.extui %eq3A_64 : i1 to i32
    %cond3A_66 = arith.constant 0 : i32
    %cond3A_67 = arith.cmpi ne, %convert_element_type3A_65, %cond3A_66 : i32
    scf.if %cond3A_67 {
      "tpu.region"() ({
        %run_scoped3A_68 = tpu.sem_alloc : memref<!tpu.dma_semaphore, #tpu.memory_space<semaphore_mem>>
        %dma_start3A_69 = arith.constant 0 : i32
        %dma_start3A_70 = tpu.memref_slice %arg7[%arg0, %dma_start3A_69] : memref<2x8192xf32, #tpu.memory_space<hbm>> -> memref<1x8192xf32, #tpu.memory_space<hbm>>
        %dma_start3A_71 = tpu.memref_squeeze %dma_start3A_70 : memref<1x8192xf32, #tpu.memory_space<hbm>> -> memref<8192xf32, #tpu.memory_space<hbm>>
        tpu.enqueue_dma source(%arg11 : memref<8192xf32, #tpu.memory_space<vmem_shared>>) target(%dma_start3A_71 : memref<8192xf32, #tpu.memory_space<hbm>>) target_semaphore(%run_scoped3A_68 : memref<!tpu.dma_semaphore, #tpu.memory_space<semaphore_mem>>)
        %dma_wait3A_72 = arith.constant 0 : i32
        %dma_wait3A_73 = tpu.memref_slice %arg7[%arg0, %dma_wait3A_72] : memref<2x8192xf32, #tpu.memory_space<hbm>> -> memref<1x8192xf32, #tpu.memory_space<hbm>>
        %dma_wait3A_74 = tpu.memref_squeeze %dma_wait3A_73 : memref<1x8192xf32, #tpu.memory_space<hbm>> -> memref<8192xf32, #tpu.memory_space<hbm>>
        tpu.wait_dma2 semaphore(%run_scoped3A_68 : memref<!tpu.dma_semaphore, #tpu.memory_space<semaphore_mem>>) src(%arg11 : memref<8192xf32, #tpu.memory_space<vmem_shared>>) dst(%dma_wait3A_74 : memref<8192xf32, #tpu.memory_space<hbm>>)
        tpu.yield
      }) : () -> ()
    } else {
    }
    return
  }
}

module attributes {stable_mosaic.version = 14 : i64} {
  func.func @_dist_body(%arg0: i32, %arg1: memref<1024x1xf32, #tpu.memory_space<vmem>>, %arg2: memref<1024x256xbf16, #tpu.memory_space<vmem>>, %arg3: memref<8192x256xf32, #tpu.memory_space<vmem>>, %arg4: memref<1x8192xf32, #tpu.memory_space<vmem>>, %arg5: memref<1024x1xi32, #tpu.memory_space<vmem>>, %arg6: memref<1024x1xf32, #tpu.memory_space<vmem>>) attributes {dimension_semantics = [#tpu.dimension_semantics<arbitrary>], iteration_bounds = array<i64: 9>, scalar_prefetch = 0 : i64, scratch_operands = 0 : i64, tpu.core_type = #tpu.core_type<tc>, window_params = [{transform_indices = @transform_0, window_bounds = array<i64: 1024, 1>}, {transform_indices = @transform_1, window_bounds = array<i64: 1024, 256>}, {pipeline_mode = #tpu.pipeline_mode<synchronous>, transform_indices = @transform_2, window_bounds = array<i64: 8192, 256>}, {pipeline_mode = #tpu.pipeline_mode<synchronous>, transform_indices = @transform_3, window_bounds = array<i64: 1, 8192>}, {transform_indices = @transform_4, window_bounds = array<i64: 1024, 1>}, {transform_indices = @transform_5, window_bounds = array<i64: 1024, 1>}]} {
    %get3A = arith.constant 0 : index
    %get3A_0 = arith.constant 0 : index
    %get3A_1 = vector.load %arg2[%get3A, %get3A_0] : memref<1024x256xbf16, #tpu.memory_space<vmem>>, vector<1024x256xbf16>
    %get3A_2 = arith.constant 0 : index
    %get3A_3 = arith.constant 0 : index
    %get3A_4 = vector.load %arg3[%get3A_2, %get3A_3] : memref<8192x256xf32, #tpu.memory_space<vmem>>, vector<8192x256xf32>
    %dot_general3A = arith.constant dense<0.000000e+00> : vector<1024x8192xf32>
    %dot_general3A_5 = tpu.matmul %get3A_1, %get3A_4, %dot_general3A {dimension_numbers = #tpu.dot_dimension_numbers<[1], [1], [0], [0], [0, 0, 1, 0], [], []>, transpose_lhs_hint = false} : vector<1024x256xbf16>, vector<8192x256xf32>, vector<1024x8192xf32> -> vector<1024x8192xf32>
    %get3A_6 = arith.constant 0 : index
    %get3A_7 = arith.constant 0 : index
    %get3A_8 = vector.load %arg1[%get3A_6, %get3A_7] : memref<1024x1xf32, #tpu.memory_space<vmem>>, vector<1024x1xf32>
    %sub3A = vector.broadcast %get3A_8 : vector<1024x1xf32> to vector<1024x8192xf32>
    %sub3A_9 = arith.subf %sub3A, %dot_general3A_5 : vector<1024x8192xf32>
    %get3A_10 = arith.constant 0 : index
    %get3A_11 = arith.constant 0 : index
    %get3A_12 = vector.load %arg4[%get3A_10, %get3A_11] : memref<1x8192xf32, #tpu.memory_space<vmem>>, vector<1x8192xf32>
    %add3A = vector.broadcast %get3A_12 : vector<1x8192xf32> to vector<1024x8192xf32>
    %add3A_13 = arith.addf %sub3A_9, %add3A : vector<1024x8192xf32>
    %max3A = arith.constant 0.000000e+00 : f32
    %max3A_14 = vector.broadcast %max3A : f32 to vector<1024x8192xf32>
    %max3A_15 = arith.maximumf %add3A_13, %max3A_14 : vector<1024x8192xf32>
    %sqrt3A = math.sqrt %max3A_15 : vector<1024x8192xf32>
    %slice3A = vector.extract_strided_slice %sqrt3A {offsets = [0, 0], sizes = [1024, 2736], strides = [1, 1]} : vector<1024x8192xf32> to vector<1024x2736xf32>
    %iota3A = tpu.iota {dimensions = array<i32: 1>} : vector<1024x2736xi32>
    %convert_element_type3A = arith.sitofp %iota3A : vector<1024x2736xi32> to vector<1024x2736xf32>
    %reduce_min3A = arith.constant dense<0x7F800000> : vector<1024xf32>
    %reduce_min3A_16 = vector.multi_reduction <minimumf>, %slice3A, %reduce_min3A [1] : vector<1024x2736xf32> to vector<1024xf32>
    %broadcast_in_dim3A = vector.shape_cast %reduce_min3A_16 : vector<1024xf32> to vector<1024x1xf32>
    %eq3A = vector.broadcast %broadcast_in_dim3A : vector<1024x1xf32> to vector<1024x2736xf32>
    %eq3A_17 = arith.cmpf oeq, %slice3A, %eq3A : vector<1024x2736xf32>
    %add3A_18 = arith.constant 0.000000e+00 : f32
    %add3A_19 = vector.broadcast %add3A_18 : f32 to vector<1024x2736xf32>
    %add3A_20 = arith.addf %convert_element_type3A, %add3A_19 : vector<1024x2736xf32>
    %jit3A = arith.constant 1.638400e+04 : f32
    %broadcast_in_dim3A_21 = vector.broadcast %jit3A : f32 to vector<1024x2736xf32>
    %select_n3A = arith.select %eq3A_17, %add3A_20, %broadcast_in_dim3A_21 : vector<1024x2736xi1>, vector<1024x2736xf32>
    %reduce_min3A_22 = arith.constant dense<0x7F800000> : vector<1024xf32>
    %reduce_min3A_23 = vector.multi_reduction <minimumf>, %select_n3A, %reduce_min3A_22 [1] : vector<1024x2736xf32> to vector<1024xf32>
    %broadcast_in_dim3A_24 = vector.shape_cast %reduce_min3A_23 : vector<1024xf32> to vector<1024x1xf32>
    %bitcast_convert_type3A = tpu.bitcast %broadcast_in_dim3A : vector<1024x1xf32> -> vector<1024x1xi32>
    %shift_right_logical3A = arith.constant 16 : i32
    %shift_right_logical3A_25 = vector.broadcast %shift_right_logical3A : i32 to vector<1024x1xi32>
    %shift_right_logical3A_26 = arith.shrui %bitcast_convert_type3A, %shift_right_logical3A_25 : vector<1024x1xi32>
    %and3A = arith.constant 1 : i32
    %and3A_27 = vector.broadcast %and3A : i32 to vector<1024x1xi32>
    %and3A_28 = arith.andi %shift_right_logical3A_26, %and3A_27 : vector<1024x1xi32>
    %add3A_29 = arith.constant 32767 : i32
    %add3A_30 = vector.broadcast %add3A_29 : i32 to vector<1024x1xi32>
    %add3A_31 = arith.addi %bitcast_convert_type3A, %add3A_30 : vector<1024x1xi32>
    %add3A_32 = arith.addi %add3A_31, %and3A_28 : vector<1024x1xi32>
    %and3A_33 = arith.constant -65536 : i32
    %and3A_34 = vector.broadcast %and3A_33 : i32 to vector<1024x1xi32>
    %and3A_35 = arith.andi %add3A_32, %and3A_34 : vector<1024x1xi32>
    %bitcast_convert_type3A_36 = tpu.bitcast %and3A_35 : vector<1024x1xi32> -> vector<1024x1xf32>
    %slice3A_37 = vector.extract_strided_slice %sqrt3A {offsets = [0, 2736], sizes = [1024, 2736], strides = [1, 1]} : vector<1024x8192xf32> to vector<1024x2736xf32>
    %iota3A_38 = tpu.iota {dimensions = array<i32: 1>} : vector<1024x2736xi32>
    %convert_element_type3A_39 = arith.sitofp %iota3A_38 : vector<1024x2736xi32> to vector<1024x2736xf32>
    %reduce_min3A_40 = arith.constant dense<0x7F800000> : vector<1024xf32>
    %reduce_min3A_41 = vector.multi_reduction <minimumf>, %slice3A_37, %reduce_min3A_40 [1] : vector<1024x2736xf32> to vector<1024xf32>
    %broadcast_in_dim3A_42 = vector.shape_cast %reduce_min3A_41 : vector<1024xf32> to vector<1024x1xf32>
    %eq3A_43 = vector.broadcast %broadcast_in_dim3A_42 : vector<1024x1xf32> to vector<1024x2736xf32>
    %eq3A_44 = arith.cmpf oeq, %slice3A_37, %eq3A_43 : vector<1024x2736xf32>
    %add3A_45 = arith.constant 2.736000e+03 : f32
    %add3A_46 = vector.broadcast %add3A_45 : f32 to vector<1024x2736xf32>
    %add3A_47 = arith.addf %convert_element_type3A_39, %add3A_46 : vector<1024x2736xf32>
    %jit3A_48 = arith.constant 1.638400e+04 : f32
    %broadcast_in_dim3A_49 = vector.broadcast %jit3A_48 : f32 to vector<1024x2736xf32>
    %select_n3A_50 = arith.select %eq3A_44, %add3A_47, %broadcast_in_dim3A_49 : vector<1024x2736xi1>, vector<1024x2736xf32>
    %reduce_min3A_51 = arith.constant dense<0x7F800000> : vector<1024xf32>
    %reduce_min3A_52 = vector.multi_reduction <minimumf>, %select_n3A_50, %reduce_min3A_51 [1] : vector<1024x2736xf32> to vector<1024xf32>
    %broadcast_in_dim3A_53 = vector.shape_cast %reduce_min3A_52 : vector<1024xf32> to vector<1024x1xf32>
    %lt3A = arith.cmpf olt, %broadcast_in_dim3A_42, %bitcast_convert_type3A_36 : vector<1024x1xf32>
    %bitcast_convert_type3A_54 = tpu.bitcast %broadcast_in_dim3A_42 : vector<1024x1xf32> -> vector<1024x1xi32>
    %shift_right_logical3A_55 = arith.constant 16 : i32
    %shift_right_logical3A_56 = vector.broadcast %shift_right_logical3A_55 : i32 to vector<1024x1xi32>
    %shift_right_logical3A_57 = arith.shrui %bitcast_convert_type3A_54, %shift_right_logical3A_56 : vector<1024x1xi32>
    %and3A_58 = arith.constant 1 : i32
    %and3A_59 = vector.broadcast %and3A_58 : i32 to vector<1024x1xi32>
    %and3A_60 = arith.andi %shift_right_logical3A_57, %and3A_59 : vector<1024x1xi32>
    %add3A_61 = arith.constant 32767 : i32
    %add3A_62 = vector.broadcast %add3A_61 : i32 to vector<1024x1xi32>
    %add3A_63 = arith.addi %bitcast_convert_type3A_54, %add3A_62 : vector<1024x1xi32>
    %add3A_64 = arith.addi %add3A_63, %and3A_60 : vector<1024x1xi32>
    %and3A_65 = arith.constant -65536 : i32
    %and3A_66 = vector.broadcast %and3A_65 : i32 to vector<1024x1xi32>
    %and3A_67 = arith.andi %add3A_64, %and3A_66 : vector<1024x1xi32>
    %bitcast_convert_type3A_68 = tpu.bitcast %and3A_67 : vector<1024x1xi32> -> vector<1024x1xf32>
    %select_n3A_69 = arith.select %lt3A, %bitcast_convert_type3A_68, %bitcast_convert_type3A_36 : vector<1024x1xi1>, vector<1024x1xf32>
    %select_n3A_70 = arith.select %lt3A, %broadcast_in_dim3A_53, %broadcast_in_dim3A_24 : vector<1024x1xi1>, vector<1024x1xf32>
    %select_n3A_71 = arith.select %lt3A, %broadcast_in_dim3A_42, %broadcast_in_dim3A : vector<1024x1xi1>, vector<1024x1xf32>
    %slice3A_72 = vector.extract_strided_slice %sqrt3A {offsets = [0, 5472], sizes = [1024, 2720], strides = [1, 1]} : vector<1024x8192xf32> to vector<1024x2720xf32>
    %iota3A_73 = tpu.iota {dimensions = array<i32: 1>} : vector<1024x2720xi32>
    %convert_element_type3A_74 = arith.sitofp %iota3A_73 : vector<1024x2720xi32> to vector<1024x2720xf32>
    %reduce_min3A_75 = arith.constant dense<0x7F800000> : vector<1024xf32>
    %reduce_min3A_76 = vector.multi_reduction <minimumf>, %slice3A_72, %reduce_min3A_75 [1] : vector<1024x2720xf32> to vector<1024xf32>
    %broadcast_in_dim3A_77 = vector.shape_cast %reduce_min3A_76 : vector<1024xf32> to vector<1024x1xf32>
    %eq3A_78 = vector.broadcast %broadcast_in_dim3A_77 : vector<1024x1xf32> to vector<1024x2720xf32>
    %eq3A_79 = arith.cmpf oeq, %slice3A_72, %eq3A_78 : vector<1024x2720xf32>
    %add3A_80 = arith.constant 5.472000e+03 : f32
    %add3A_81 = vector.broadcast %add3A_80 : f32 to vector<1024x2720xf32>
    %add3A_82 = arith.addf %convert_element_type3A_74, %add3A_81 : vector<1024x2720xf32>
    %jit3A_83 = arith.constant 1.638400e+04 : f32
    %broadcast_in_dim3A_84 = vector.broadcast %jit3A_83 : f32 to vector<1024x2720xf32>
    %select_n3A_85 = arith.select %eq3A_79, %add3A_82, %broadcast_in_dim3A_84 : vector<1024x2720xi1>, vector<1024x2720xf32>
    %reduce_min3A_86 = arith.constant dense<0x7F800000> : vector<1024xf32>
    %reduce_min3A_87 = vector.multi_reduction <minimumf>, %select_n3A_85, %reduce_min3A_86 [1] : vector<1024x2720xf32> to vector<1024xf32>
    %broadcast_in_dim3A_88 = vector.shape_cast %reduce_min3A_87 : vector<1024xf32> to vector<1024x1xf32>
    %lt3A_89 = arith.cmpf olt, %broadcast_in_dim3A_77, %select_n3A_69 : vector<1024x1xf32>
    %select_n3A_90 = arith.select %lt3A_89, %broadcast_in_dim3A_88, %select_n3A_70 : vector<1024x1xi1>, vector<1024x1xf32>
    %select_n3A_91 = arith.select %lt3A_89, %broadcast_in_dim3A_77, %select_n3A_71 : vector<1024x1xi1>, vector<1024x1xf32>
    %convert_element_type3A_92 = arith.fptosi %select_n3A_90 : vector<1024x1xf32> to vector<1024x1xi32>
    %swap3A = arith.constant 0 : index
    %swap3A_93 = arith.constant 0 : index
    %swap3A_94 = vector.load %arg5[%swap3A, %swap3A_93] : memref<1024x1xi32, #tpu.memory_space<vmem>>, vector<1024x1xi32>
    tpu.vector_store %arg5[%swap3A, %swap3A_93], %convert_element_type3A_92 {strides = array<i32>} : memref<1024x1xi32, #tpu.memory_space<vmem>>, vector<1024x1xi32>,
    %swap3A_95 = arith.constant 0 : index
    %swap3A_96 = arith.constant 0 : index
    %swap3A_97 = vector.load %arg6[%swap3A_95, %swap3A_96] : memref<1024x1xf32, #tpu.memory_space<vmem>>, vector<1024x1xf32>
    tpu.vector_store %arg6[%swap3A_95, %swap3A_96], %select_n3A_91 {strides = array<i32>} : memref<1024x1xf32, #tpu.memory_space<vmem>>, vector<1024x1xf32>,
    return
  }
  func.func @transform_0(%arg0: i32) -> (i32, i32) {
    %c0_i32 = arith.constant 0 : i32
    %c0_i32_0 = arith.constant 0 : i32
    return %arg0, %c0_i32 : i32, i32
  }
  func.func @transform_1(%arg0: i32) -> (i32, i32) {
    %c0_i32 = arith.constant 0 : i32
    %c0_i32_0 = arith.constant 0 : i32
    return %arg0, %c0_i32 : i32, i32
  }
  func.func @transform_2(%arg0: i32) -> (i32, i32) {
    %c0_i32 = arith.constant 0 : i32
    %c0_i32_0 = arith.constant 0 : i32
    %c0_i32_1 = arith.constant 0 : i32
    return %c0_i32, %c0_i32_0 : i32, i32
  }
  func.func @transform_3(%arg0: i32) -> (i32, i32) {
    %c0_i32 = arith.constant 0 : i32
    %c0_i32_0 = arith.constant 0 : i32
    %c0_i32_1 = arith.constant 0 : i32
    return %c0_i32, %c0_i32_0 : i32, i32
  }
  func.func @transform_4(%arg0: i32) -> (i32, i32) {
    %c0_i32 = arith.constant 0 : i32
    %c0_i32_0 = arith.constant 0 : i32
    return %arg0, %c0_i32 : i32, i32
  }
  func.func @transform_5(%arg0: i32) -> (i32, i32) {
    %c0_i32 = arith.constant 0 : i32
    %c0_i32_0 = arith.constant 0 : i32
    return %arg0, %c0_i32 : i32, i32
  }
}

</mosaic_0001>

<sc_bundles>
// kernel: kernel.4.cloned.1.call-start
scs
__scs_entry_jumppad:
0x0: {  	(pc) =	sbr.rel $0x88, $3  }
0x1: {  	(tag) =	ssettag $0x0;
	lr =	simm.s32 $0x1  }
0x2: {  	[smem:$0x3F9F] =	sst lr;
	_ =	strace $0xD0000000  }
0x3: {  	_ = 	snop  }
0x4: {  	_ = 	snop  }
0x5: {  	_ = 	snop  }
0x6: {  	_ = 	snop  }
0x7: {  	_ = 	snop  }
__scs_overlays_trampoline_lowered:
0x8: {  	[smem:$0x3FAE] =	sst s0  }
0x9: {  	[smem:$0x3FAF] =	sst s1  }
0xa: {  	[smem:$0x3FB0] =	sst s2  }
0xb: {  	[smem:$0x3FB1] =	sst s3  }
0xc: {  	[smem:$0x3FB2] =	sst s4  }
0xd: {  	[smem:$0x3FB3] =	sst s5  }
0xe: {  	[smem:$0x3FB4] =	sst s6  }
0xf: {  	[smem:$0x3FB5] =	sst s7  }
0x10: {  	[smem:$0x3FB6] =	sst s8  }
0x11: {  	[smem:$0x3FB7] =	sst s9;
	s0 =	simm.s32 @!p0 $0x0  }
0x12: {  	s1 =	sld [smem:$0x3F9D];
	s0 =	simm.s32 @p0 $0x1  }
0x13: {  	[smem:$0x3FB8] =	sst s0;
	s0 =	simm.s32 @!p1 $0x0  }
0x14: {  	s2 =	sld [smem:$0x3F9C];
	s0 =	simm.s32 @p1 $0x1  }
0x15: {  	[smem:$0x3FB9] =	sst s0;
	s0 =	simm.s32 @!p2 $0x0  }
0x16: {  	s3 =	sld [smem:$0x3FDB];
	s0 =	simm.s32 @p2 $0x1  }
0x17: {  	s4 =	simm.s32 $0x1BF5;
	[smem:$0x3FBB] =	sst s0  }
0x18: {  	s0 =	sld [smem:$0x3F9E];
	_ =	swait.ge [sflag:s4], $0x0  }
0x19: {  	s7 =	sld [smem:$0x3F9F]  }
0x1a: {  	s8 =	sadd.s32 $0xFFFFE003, lr  }
0x1b: {  	s9 =	sadd.s32 $0xFFFFFEF7, lr;
	s5 =	simm.s32 $0xFFFFFFFF;
	p2 =	slt.u32 s8, $0xFFFFF086  }
0x1c: {  	p1 =	slt.u32 s9, $0xF7A;
	s5 =	simm.s32 @!p2 $0x0  }
0x1d: {  	s5 =	simm.s32 @p1 $0x1;
	p0 =	seq.s32 s7, s2  }
0x1e: {  	s7 =	smul.u32 @!p0 $0xF7A, s2;
	p2 =	seq.s32 @!p0 s5, $0x0  }
0x1f: {  	s9 =	smul.u32 $0xF7A, s1;
	s8 =	simm.s32 @!p0 $0x1BF5;
	p2 =	por !p2, p0  }
0x20: {  	[sflag:s8] =	ssyncset.s32 @!p0 $0xFFFFF086;
	s6 =	sadd.s32 @!p0 s3, s7;
	s7 =	simm.s32 @!p0 $0x108  }
0x21: {  	s3 =	sadd.s32 s3, s9;
	s6 =	sadd.s32 @!p0 $0x88, s6;
	s7 =	simm.s32 @p2 $0x1082  }
0x22: {  	[simem:s7], [sflag:s8] =	dma.local @!p0 [hbm:s6], $0xF7A  }
0x23: {  	s9 =	sor.u32 $0xD0000000, s2;
	s6 =	simm.s32 $0x108;
	_ =	swait.ge @!p0 [sflag:s8], $0x0  }
0x24: {  	s3 =	sadd.s32 $0x88, s3;
	s6 =	simm.s32 @!p1 $0x1082;
	[sflag:s4] =	ssyncset.s32 $0xFFFFF086  }
0x25: {  	[simem:s6], [sflag:s4] =	dma.local [hbm:s3], $0xF7A  }
0x26: {  	[smem:$0x3F9F] =	sst s1;
	(tag) =	ssettag s2;
	_ =	strace s9  }
0x27: {  	s1 =	sld [smem:$0x3FAF]  }
0x28: {  	s2 =	sld [smem:$0x3FB0]  }
0x29: {  	s4 =	sld [smem:$0x3FB2]  }
0x2a: {  	p0 =	seq.s32 s5, $0x0;
	s5 =	sld [smem:$0x3FB3]  }
0x2b: {  	s6 =	sld [smem:$0x3FB4]  }
0x2c: {  	s7 =	sld [smem:$0x3FB5]  }
0x2d: {  	s3 =	simm.s32 $0x108;
	s8 =	sld [smem:$0x3FB6]  }
0x2e: {  	s3 =	simm.s32 @!p0 $0x1082;
	s9 =	sld [smem:$0x3FB7]  }
0x2f: {  	lr =	sadd.s32 s0, s3;
	s0 =	sld [smem:$0x3FAE]  }
0x30: {  	s3 =	sld [smem:$0x3FB1]  }
0x31: {  	[smem:$0x3FBA] =	sst s10  }
0x32: {  	s10 =	sld [smem:$0x3FB8];
	_ =	sdelay $0x3  }
0x33: {  	p0 =	seq.s32 s10, $0x1;
	s10 =	sld [smem:$0x3FBA];
	_ =	sdelay $0x3  }
0x34: {  	[smem:$0x3FBA] =	sst s10  }
0x35: {  	s10 =	sld [smem:$0x3FB9];
	_ =	sdelay $0x3  }
0x36: {  	p1 =	seq.s32 s10, $0x1;
	s10 =	sld [smem:$0x3FBA];
	_ =	sdelay $0x3  }
0x37: {  	[smem:$0x3FBA] =	sst s10  }
0x38: {  	s10 =	sld [smem:$0x3FBB]  }
0x39: {  	_ = 	snop;
	(pc) =	sbr.ind lr, $3  }
0x3a: {  	_ = 	snop  }
0x3b: {  	_ = 	snop  }
0x3c: {  	p2 =	seq.s32 s10, $0x1;
	s10 =	sld [smem:$0x3FBA]  }
0x3d: {  	_ =	shalt  }
0x3e: {  	_ =	shalt  }
0x3f: {  	_ =	shalt  }
0x40: {  	_ =	shalt  }
0x41: {  	_ =	shalt  }
0x42: {  	_ =	shalt  }
0x43: {  	_ =	shalt  }
0x44: {  	_ =	shalt  }
0x45: {  	_ =	shalt  }
0x46: {  	_ =	shalt  }
0x47: {  	_ =	shalt  }
0x48: {  	_ =	shalt  }
0x49: {  	_ =	shalt  }
0x4a: {  	_ =	shalt  }
0x4b: {  	_ =	shalt  }
0x4c: {  	_ =	shalt  }
0x4d: {  	_ =	shalt  }
0x4e: {  	_ =	shalt  }
0x4f: {  	_ =	shalt  }
0x50: {  	_ =	shalt  }
0x51: {  	_ =	shalt  }
0x52: {  	_ =	shalt  }
0x53: {  	_ =	shalt  }
0x54: {  	_ =	shalt  }
0x55: {  	_ =	shalt  }
0x56: {  	_ =	shalt  }
0x57: {  	_ =	shalt  }
0x58: {  	_ =	shalt  }
0x59: {  	_ =	shalt  }
0x5a: {  	_ =	shalt  }
0x5b: {  	_ =	shalt  }
0x5c: {  	_ =	shalt  }
0x5d: {  	_ =	shalt  }
0x5e: {  	_ =	shalt  }
0x5f: {  	_ =	shalt  }
0x60: {  	_ =	shalt  }
0x61: {  	_ =	shalt  }
0x62: {  	_ =	shalt  }
0x63: {  	_ =	shalt  }
0x64: {  	_ =	shalt  }
0x65: {  	_ =	shalt  }
0x66: {  	_ =	shalt  }
0x67: {  	_ =	shalt  }
0x68: {  	_ =	shalt  }
0x69: {  	_ =	shalt  }
0x6a: {  	_ =	shalt  }
0x6b: {  	_ =	shalt  }
0x6c: {  	_ =	shalt  }
0x6d: {  	_ =	shalt  }
0x6e: {  	_ =	shalt  }
0x6f: {  	_ =	shalt  }
0x70: {  	_ =	shalt  }
0x71: {  	_ =	shalt  }
0x72: {  	_ =	shalt  }
0x73: {  	_ =	shalt  }
0x74: {  	_ =	shalt  }
0x75: {  	_ =	shalt  }
0x76: {  	_ =	shalt  }
0x77: {  	_ =	shalt  }
0x78: {  	_ =	shalt  }
0x79: {  	_ =	shalt  }
0x7a: {  	_ =	shalt  }
0x7b: {  	_ =	shalt  }
0x7c: {  	_ =	shalt  }
0x7d: {  	_ =	shalt  }
0x7e: {  	_ =	shalt  }
0x7f: {  	_ =	shalt  }
0x80: {  	_ =	shalt  }
0x81: {  	_ =	shalt  }
0x82: {  	_ =	shalt  }
0x83: {  	_ =	shalt  }
0x84: {  	_ =	shalt  }
0x85: {  	_ =	shalt  }
0x86: {  	_ =	shalt  }
0x87: {  	_ =	shalt  }
.Lfunc_end0:
.L_simem_size_0:
called_computation_lowered:
.L_overlay_start_0:
0x88: {  	s2 =	sld [smem:$0x3FD9]  }
0x89: {  	s3 =	sld [smem:$0x3FFE];
	_ =	sdelay $0x1  }
0x8a: {  	s1 =	srdreg.scid  }
0x8b: {  	s0 =	sand.u32 $0x1, s1  }
0x8c: {  	s14 =	sshll.u32 s0, $0xA;
	s2 =	sadd.s32 s3, s2  }
0x8d: {  	s2 =	sadd.s32 s2, s14  }
0x8e: {  	[smem:$0x3FC6] =	sst s2  }
0x8f: {  	_ = 	snop  }
0x90: {  	s2 =	sld [smem:$0x3FD0];
	_ =	sdelay $0x2  }
0x91: {  	s4 =	simm.s32 $0xA;
	s5 =	simm.s32 $0x10;
	s15 =	sld [smem:$0x3FC8]  }
0x92: {  	[smem:s5], [sflag:s4] =	dma.local [hbm:s2], $0x1  }
0x93: {  	_ =	swait.eq [sflag:s4], $0x1  }
0x94: {  	[sflag:s4] =	ssyncset.done $0x0  }
0x95: {  	s16 =	sld [smem:$0x10];
	[sflag:s4] =	ssyncadd.s32 $0xFFFFFFFF  }
0x96: {  	s17 =	sld [smem:$0x14];
	(tm) =	ssettm $0x1  }
0x97: {  	s18 =	sld [smem:$0x3FFB];
	_ =	sdelay $0x3  }
0x98: {  	_ =	strace s18  }
0x99: {  	s5 =	sld [smem:$0x3FFC];
	_ =	sdelay $0x3  }
0x9a: {  	_ =	strace s5  }
0x9b: {  	s5 =	sld [smem:$0x3FFD];
	_ =	sdelay $0x3  }
0x9c: {  	_ =	strace s5  }
0x9d: {  	_ =	strace $0x8FFFFFFF  }
0x9e: {  	s19 =	sld [smem:$0x3FDB];
	_ =	sdelay $0x1  }
0x9f: {  	s6 =	simm.s32 $_scs_section_size  }
0xa0: {  	s7 =	simm.s32 $_size__tile_overlayer_lowered;
	s8 =	simm.s32 $_tile_overlayer_lowered  }
0xa1: {  	s22 =	simm.s32 $0x1BFF;
	s21 =	sshll.u32 s8, $0x1;
	s5 =	sadd.s32 s6, s19  }
0xa2: {  	s9 =	simm.s32 $0x0;
	s20 =	sshll.u32 s7, $0x1;
	s7 =	sadd.s32 s21, s5  }
0xa3: {  	[timem:s9], [sflag:s22] =	dma.local [hbm:s7], s20  }
0xa4: {  	_ =	swait.ge [sflag:s22], s20  }
0xa5: {  	s6 =	ssub.s32 $0x0, s20;
	[sflag:s22] =	ssyncset.done $0x0  }
0xa6: {  	[sflag:s22] =	ssyncadd.s32 s6;
	_ =	sdelay $0x1  }
0xa7: {  	s23 =	simm.s32 $0x1B8B  }
0xa8: {  	_ =	swait.ge [sflag:s23], $0x1  }
0xa9: {  	[sflag:s23] =	ssyncset.done $0x0  }
0xaa: {  	s25 =	simm.s32 $0x1B8E;
	s24 =	sld [smem:$0x3FFE];
	[sflag:s23] =	ssyncadd.s32 $0xFFFFFFFF  }
0xab: {  	s26 =	simm.s32 $execute0_lowered;
	[smem:$0x3FD2] =	sst s25  }
0xac: {  	s7 =	sshll.u32 s26, $0x1;
	_ =	strace $0x80000046;
	[dreg:$0x1] =	wrdreg $0xFFFFFFFF  }
0xad: {  	s28 =	simm.s32 $_size_execute0_lowered;
	s5 =	sadd.s32 s5, s7;
	[dreg:$0x0] =	wrdreg $0x0  }
0xae: {  	s7 =	sshll.u32 s28, $0x1;
	[dreg:$0x2] =	wrdreg s5  }
0xaf: {  	[dreg:$0x3] =	wrdreg s7  }
0xb0: {  	[dreg:$0x4] =	wrdreg $0xC0  }
0xb1: {  	_ =	task [dreg:s9], $0x5FFFF  }
0xb2: {  	[dreg:$0x1] =	wrdreg $0xFFFFFFFF  }
0xb3: {  	[dreg:$0x0] =	wrdreg $0x60  }
0xb4: {  	[dreg:$0x2] =	wrdreg s15  }
0xb5: {  	[dreg:$0x3] =	wrdreg s24  }
0xb6: {  	[dreg:$0x4] =	wrdreg s17  }
0xb7: {  	[dreg:$0x5] =	wrdreg s16  }
0xb8: {  	[dreg:$0x6] =	wrdreg $0x62800  }
0xb9: {  	[dreg:$0x7] =	wrdreg $0x9  }
0xba: {  	_ =	task.clear_ibuf [dreg:s9], $0x8FFFF;
	_ =	strace $0x90000046  }
0xbb: {  	s29 =	simm.s32 $0x9;
	_ =	strace $0x80000048  }
0xbc: {  	_ =	swait.ge [sflag:s29], $0x1  }
0xbd: {  	[sflag:s29] =	ssyncadd.s32 $0xFFFFFFFF  }
0xbe: {  	_ =	strace $0x90000048  }
0xbf: {  	_ =	sfence  }
0xc0: {  	s30 =	sld [smem:$0x0];
	_ =	sdelay $0x2  }
0xc1: {  	s31 =	sshll.u32 s1, $0xD;
	s1 =	sshrl.u32 s1, $0x2  }
0xc2: {  	s3 =	sand.u32 $0x4000, s31;
	s1 =	sadd.s32 s1, s30  }
0xc3: {  	s0 =	sor.u32 s3, s0;
	s1 =	sshll.u32 s1, $0x11  }
0xc4: {  	s0 =	sor.u32 s1, s0  }
0xc5: {  	s0 =	sadd.s32 $0x8F2B, s0  }
0xc6: {  	[sflag:s0] =	ssyncadd.remote.s32 $0x1  }
0xc7: {  	_ =	sfence.sel $0xFFFF  }
0xc8: {  	[dreg:$0x0] =	wrdreg $0xFFFFFFFF;
	(pc) =	sbr.abs _section_cstart, $3  }
0xc9: {  	[dreg:$0x1] =	wrdreg $0xFFFFFFFF  }
0xca: {  	_ =	task.clear_ibuf [dreg:s9], $0x2FFFF;
	_ =	strace $0x9FFFFFFF  }
0xcb: {  	(tm) =	ssettm $0x7FFFFFFF  }
tec
execute0_lowered:
.L_overlay_start_1:
0x0: {  	(tag) =	ssettag $0x1  }
0x1: {  	s0 =	rddreg [dreg:$0x0]  }
0x2: {  	s4 =	rddreg [dreg:$0x1]  }
0x3: {  	s1 =	rddreg [dreg:$0x2]  }
0x4: {  	s5 =	rddreg [dreg:$0x3]  }
0x5: {  	s2 =	rddreg [dreg:$0x4];
	s3 =	simm.s32 $0x0;
	s6 =	srdreg.scid  }
0x6: {  	s8 =	stileid.u32;
	s14 =	simm.s32 $0x2A00;
	s15 =	simm.s32 $0x3200  }
0x7: {  	s16 =	simm.s32 $0x3A00;
	s17 =	simm.s32 $0x4200;
	s18 =	simm.s32 $0x4A00  }
0x8: {  	s19 =	simm.s32 $0x5200;
	s20 =	simm.s32 $0x5A00;
	s21 =	simm.s32 $0x1  }
0x9: {  	s22 =	simm.s32 $0x80;
	s23 =	simm.s32 $0x100;
	[dreg:$0x7] =	wrdreg s1  }
0xa: {  	[smem:$0x7FF] =	sst s3;
	s6 =	sand.u32 $0x1, s6;
	s7 =	sshll.u32 s8, $0x1  }
0xb: {  	s9 =	sadd.s32 $0x600, s4;
	p0 =	sne.s32 s8, $0x0;
	s8 =	simm.s32 $0x2  }
0xc: {  	_ =	strace $0x80000047;
	s7 =	sor.u32 s6, s7;
	s10 =	sshll.u32 s6, $0x4  }
0xd: {  	[dreg:$0x6] =	wrdreg s9;
	s6 =	ssub.s32 $0x2, s6;
	s11 =	smul.u32 $0x120, s7  }
0xe: {  	s9 =	simm.s32 $0x200;
	s7 =	smul.u32 $0x2400, s7;
	s12 =	sshrl.u32 s6, $0x1  }
0xf: {  	s24 =	sadd.s32 s10, s4;
	s12 =	ssub.s32 s6, s12;
	s25 =	sshrl.u32 s11, $0x3  }
0x10: {  	s13 =	sadd.s32 $0x60, s11;
	s7 =	sadd.s32 s5, s7;
	s30 =	sadd.s32 $0xC0, s11  }
0x11: {  	s11 =	simm.s32 $0x1200;
	s10 =	sadd.s32 s4, s25;
	s26 =	sshrl.u32 s13, $0x3  }
0x12: {  	[dreg:$0x9] =	wrdreg s7;
	s29 =	sshll.u32 s13, $0x5;
	s31 =	sshrl.u32 s30, $0x3  }
0x13: {  	s7 =	sshll.u32 s30, $0x5;
	s13 =	simm.s32 $0x2200;
	s25 =	simm.s32 $0x60  }
0x14: {  	[dreg:$0x8] =	wrdreg s10;
	s28 =	sadd.s32 s4, s26;
	s6 =	sadd.s32 s5, s29  }
0x15: {  	v2 =	vlaneseq.u32;
	s4 =	sadd.s32 s4, s31;
	s5 =	sadd.s32 s5, s7;
	s7 =	smax.u32 s12, $0x1  }
0x16: {  	vm0 =	vmmov $0xffff;
	v1 =	vshrl.u32 v2, $0x3;
	s10 =	simm.s32 $0xA00;
	s12 =	simm.s32 $0x1A00;
	[dreg:$0xa] =	wrdreg s28  }
0x17: {  	v0 =	vand.u32 $0x7, v2;
	v2 =	vor.u32 $0x8, v2;
	v1 =	vmul.u32 $0x8, v1;
	[dreg:$0xb] =	wrdreg s6;
	s6 =	sadd.s32 $0xA00, s24;
	s24 =	simm.s32 $0x6200  }
.LBB2_1:
0x18: {  	s26 =	rddreg [dreg:$0x8]  }
0x19: {  	[tilespmem:s3], [sflag:$0x2] =	stream.linear.gather [hbm4b:s26+s3], $0x60, $0x38;
	[tilespmem:$0x6480] =	vst v63  }
0x1a: {  	_ =	swait.ge [sflag:s8], $0x60  }
0x1b: {  	[sflag:s8] =	ssyncset.done $0x0  }
0x1c: {  	[sflag:s8] =	ssyncadd.s32 $0xFFFFFFA0  }
0x1d: {  	v3 =	vld [tilespmem:$0x0];
	_ =	sdelay $0x4  }
0x1e: {  	v4 =	vshll.u32 v3, $0x1  }
0x1f: {  	v3 =	vand.u32 $0x7, v3;
	v4 =	vand.u32 $0xFFFFFFF0, v4  }
0x20: {  	v3 =	vor.u32 v3, v4  }
0x21: {  	v4 =	vperm.xlane v3, v0;
	_ =	sdelay $0x1  }
0x22: {  	v3 =	vperm.xlane v3, v2;
	v4 =	vadd.s32 v1, v4;
	_ =	sdelay $0x1  }
0x23: {  	v3 =	vadd.s32 v1, v3;
	_ =	sdelay $0x2  }
0x24: {  	[tilespmem:s9], [sflag:$0x1] =	stream.indirect_vreg.gather [hbm4b:s0+s3], $0x80, v4, vm0, $0xb8;
	[tilespmem:$0x6480] =	vst v63  }
0x25: {  	_ = 	snop  }
0x26: {  	[tilespmem:s10], [sflag:$0x1] =	stream.indirect_vreg.gather [hbm4b:s0+s3], $0x80, v3, vm0, $0xb8;
	[tilespmem:$0x6480] =	vst v63  }
0x27: {  	v3 =	vld [tilespmem:$0x10];
	_ =	sdelay $0x4  }
0x28: {  	v47 =	vshll.u32 v3, $0x1  }
0x29: {  	v3 =	vand.u32 $0x7, v3;
	v4 =	vand.u32 $0xFFFFFFF0, v47  }
0x2a: {  	v3 =	vor.u32 v3, v4  }
0x2b: {  	v4 =	vperm.xlane v3, v0;
	_ =	sdelay $0x1  }
0x2c: {  	v3 =	vperm.xlane v3, v2;
	v4 =	vadd.s32 v1, v4;
	_ =	sdelay $0x1  }
0x2d: {  	v3 =	vadd.s32 v1, v3;
	_ =	sdelay $0x2  }
0x2e: {  	[tilespmem:s11], [sflag:$0x1] =	stream.indirect_vreg.gather [hbm4b:s0+s3], $0x80, v4, vm0, $0xb8;
	[tilespmem:$0x6480] =	vst v63  }
0x2f: {  	_ = 	snop  }
0x30: {  	[tilespmem:s12], [sflag:$0x1] =	stream.indirect_vreg.gather [hbm4b:s0+s3], $0x80, v3, vm0, $0xb8;
	[tilespmem:$0x6480] =	vst v63  }
0x31: {  	v3 =	vld [tilespmem:$0x20];
	_ =	sdelay $0x4  }
0x32: {  	v48 =	vshll.u32 v3, $0x1  }
0x33: {  	v3 =	vand.u32 $0x7, v3;
	v4 =	vand.u32 $0xFFFFFFF0, v48  }
0x34: {  	v3 =	vor.u32 v3, v4  }
0x35: {  	v4 =	vperm.xlane v3, v0;
	_ =	sdelay $0x1  }
0x36: {  	v3 =	vperm.xlane v3, v2;
	v4 =	vadd.s32 v1, v4;
	_ =	sdelay $0x1  }
0x37: {  	v3 =	vadd.s32 v1, v3;
	_ =	sdelay $0x2  }
0x38: {  	[tilespmem:s13], [sflag:$0x1] =	stream.indirect_vreg.gather [hbm4b:s0+s3], $0x80, v4, vm0, $0xb8;
	[tilespmem:$0x6480] =	vst v63  }
0x39: {  	_ = 	snop  }
0x3a: {  	[tilespmem:s14], [sflag:$0x1] =	stream.indirect_vreg.gather [hbm4b:s0+s3], $0x80, v3, vm0, $0xb8;
	[tilespmem:$0x6480] =	vst v63  }
0x3b: {  	v3 =	vld [tilespmem:$0x30];
	_ =	sdelay $0x4  }
0x3c: {  	v49 =	vshll.u32 v3, $0x1  }
0x3d: {  	v3 =	vand.u32 $0x7, v3;
	v4 =	vand.u32 $0xFFFFFFF0, v49  }
0x3e: {  	v3 =	vor.u32 v3, v4  }
0x3f: {  	v4 =	vperm.xlane v3, v0;
	_ =	sdelay $0x1  }
0x40: {  	v3 =	vperm.xlane v3, v2;
	v4 =	vadd.s32 v1, v4;
	_ =	sdelay $0x1  }
0x41: {  	v3 =	vadd.s32 v1, v3;
	_ =	sdelay $0x2  }
0x42: {  	[tilespmem:s15], [sflag:$0x1] =	stream.indirect_vreg.gather [hbm4b:s0+s3], $0x80, v4, vm0, $0xb8;
	[tilespmem:$0x6480] =	vst v63  }
0x43: {  	_ = 	snop  }
0x44: {  	[tilespmem:s16], [sflag:$0x1] =	stream.indirect_vreg.gather [hbm4b:s0+s3], $0x80, v3, vm0, $0xb8;
	[tilespmem:$0x6480] =	vst v63  }
0x45: {  	v3 =	vld [tilespmem:$0x40];
	_ =	sdelay $0x4  }
0x46: {  	v50 =	vshll.u32 v3, $0x1  }
0x47: {  	v3 =	vand.u32 $0x7, v3;
	v4 =	vand.u32 $0xFFFFFFF0, v50  }
0x48: {  	v3 =	vor.u32 v3, v4  }
0x49: {  	v4 =	vperm.xlane v3, v0;
	_ =	sdelay $0x1  }
0x4a: {  	v3 =	vperm.xlane v3, v2;
	v4 =	vadd.s32 v1, v4;
	_ =	sdelay $0x1  }
0x4b: {  	v3 =	vadd.s32 v1, v3;
	_ =	sdelay $0x2  }
0x4c: {  	[tilespmem:s17], [sflag:$0x1] =	stream.indirect_vreg.gather [hbm4b:s0+s3], $0x80, v4, vm0, $0xb8;
	[tilespmem:$0x6480] =	vst v63  }
0x4d: {  	_ = 	snop  }
0x4e: {  	[tilespmem:s18], [sflag:$0x1] =	stream.indirect_vreg.gather [hbm4b:s0+s3], $0x80, v3, vm0, $0xb8;
	[tilespmem:$0x6480] =	vst v63  }
0x4f: {  	v3 =	vld [tilespmem:$0x50];
	_ =	sdelay $0x4  }
0x50: {  	v51 =	vshll.u32 v3, $0x1  }
0x51: {  	v3 =	vand.u32 $0x7, v3;
	v4 =	vand.u32 $0xFFFFFFF0, v51  }
0x52: {  	v3 =	vor.u32 v3, v4  }
0x53: {  	v4 =	vperm.xlane v3, v0;
	_ =	sdelay $0x1  }
0x54: {  	v3 =	vperm.xlane v3, v2;
	v4 =	vadd.s32 v1, v4;
	_ =	sdelay $0x1  }
0x55: {  	v3 =	vadd.s32 v1, v3;
	_ =	sdelay $0x2  }
0x56: {  	[tilespmem:s19], [sflag:$0x1] =	stream.indirect_vreg.gather [hbm4b:s0+s3], $0x80, v4, vm0, $0xb8;
	[tilespmem:$0x6480] =	vst v63  }
0x57: {  	_ = 	snop  }
0x58: {  	[tilespmem:s20], [sflag:$0x1] =	stream.indirect_vreg.gather [hbm4b:s0+s3], $0x80, v3, vm0, $0xb8;
	[tilespmem:$0x6480] =	vst v63  }
0x59: {  	_ =	swait.ge [sflag:s21], $0x6000  }
0x5a: {  	[sflag:s21] =	ssyncset.done $0x0  }
0x5b: {  	s28 =	rddreg [dreg:$0x9];
	[sflag:s21] =	ssyncadd.s32 $0xFFFFA000  }
0x5c: {  	[hbm4b:s28+s3] =	stream.linear.scatter [tilespmem:s9], [sflag:$0x2], $0x6000, $0x38;
	[tilespmem:$0x6480] =	vst v63  }
0x5d: {  	_ =	swait.ge [sflag:s8], $0x6000  }
0x5e: {  	[sflag:s8] =	ssyncset.done $0x0  }
0x5f: {  	s29 =	rddreg [dreg:$0xa];
	[sflag:s8] =	ssyncadd.s32 $0xFFFFA000  }
0x60: {  	[tilespmem:s22], [sflag:$0x2] =	stream.linear.gather [hbm4b:s29+s3], $0x60, $0x38;
	[tilespmem:$0x6480] =	vst v63  }
0x61: {  	_ =	swait.ge [sflag:s8], $0x60  }
0x62: {  	[sflag:s8] =	ssyncset.done $0x0  }
0x63: {  	[sflag:s8] =	ssyncadd.s32 $0xFFFFFFA0  }
0x64: {  	v3 =	vld [tilespmem:$0x80];
	_ =	sdelay $0x4  }
0x65: {  	v52 =	vshll.u32 v3, $0x1  }
0x66: {  	v3 =	vand.u32 $0x7, v3;
	v4 =	vand.u32 $0xFFFFFFF0, v52  }
0x67: {  	v3 =	vor.u32 v3, v4  }
0x68: {  	v4 =	vperm.xlane v3, v0;
	_ =	sdelay $0x1  }
0x69: {  	v3 =	vperm.xlane v3, v2;
	v4 =	vadd.s32 v1, v4;
	_ =	sdelay $0x1  }
0x6a: {  	v3 =	vadd.s32 v1, v3;
	_ =	sdelay $0x2  }
0x6b: {  	[tilespmem:s9], [sflag:$0x1] =	stream.indirect_vreg.gather [hbm4b:s0+s3], $0x80, v4, vm0, $0xb8;
	[tilespmem:$0x6480] =	vst v63  }
0x6c: {  	_ = 	snop  }
0x6d: {  	[tilespmem:s10], [sflag:$0x1] =	stream.indirect_vreg.gather [hbm4b:s0+s3], $0x80, v3, vm0, $0xb8;
	[tilespmem:$0x6480] =	vst v63  }
0x6e: {  	v3 =	vld [tilespmem:$0x90];
	_ =	sdelay $0x4  }
0x6f: {  	v53 =	vshll.u32 v3, $0x1  }
0x70: {  	v3 =	vand.u32 $0x7, v3;
	v4 =	vand.u32 $0xFFFFFFF0, v53  }
0x71: {  	v3 =	vor.u32 v3, v4  }
0x72: {  	v4 =	vperm.xlane v3, v0;
	_ =	sdelay $0x1  }
0x73: {  	v3 =	vperm.xlane v3, v2;
	v4 =	vadd.s32 v1, v4;
	_ =	sdelay $0x1  }
0x74: {  	v3 =	vadd.s32 v1, v3;
	_ =	sdelay $0x2  }
0x75: {  	[tilespmem:s11], [sflag:$0x1] =	stream.indirect_vreg.gather [hbm4b:s0+s3], $0x80, v4, vm0, $0xb8;
	[tilespmem:$0x6480] =	vst v63  }
0x76: {  	_ = 	snop  }
0x77: {  	[tilespmem:s12], [sflag:$0x1] =	stream.indirect_vreg.gather [hbm4b:s0+s3], $0x80, v3, vm0, $0xb8;
	[tilespmem:$0x6480] =	vst v63  }
0x78: {  	v3 =	vld [tilespmem:$0xA0];
	_ =	sdelay $0x4  }
0x79: {  	v54 =	vshll.u32 v3, $0x1  }
0x7a: {  	v3 =	vand.u32 $0x7, v3;
	v4 =	vand.u32 $0xFFFFFFF0, v54  }
0x7b: {  	v3 =	vor.u32 v3, v4  }
0x7c: {  	v4 =	vperm.xlane v3, v0;
	_ =	sdelay $0x1  }
0x7d: {  	v3 =	vperm.xlane v3, v2;
	v4 =	vadd.s32 v1, v4;
	_ =	sdelay $0x1  }
0x7e: {  	v3 =	vadd.s32 v1, v3;
	_ =	sdelay $0x2  }
0x7f: {  	[tilespmem:s13], [sflag:$0x1] =	stream.indirect_vreg.gather [hbm4b:s0+s3], $0x80, v4, vm0, $0xb8;
	[tilespmem:$0x6480] =	vst v63  }
0x80: {  	_ = 	snop  }
0x81: {  	[tilespmem:s14], [sflag:$0x1] =	stream.indirect_vreg.gather [hbm4b:s0+s3], $0x80, v3, vm0, $0xb8;
	[tilespmem:$0x6480] =	vst v63  }
0x82: {  	v3 =	vld [tilespmem:$0xB0];
	_ =	sdelay $0x4  }
0x83: {  	v55 =	vshll.u32 v3, $0x1  }
0x84: {  	v3 =	vand.u32 $0x7, v3;
	v4 =	vand.u32 $0xFFFFFFF0, v55  }
0x85: {  	v3 =	vor.u32 v3, v4  }
0x86: {  	v4 =	vperm.xlane v3, v0;
	_ =	sdelay $0x1  }
0x87: {  	v3 =	vperm.xlane v3, v2;
	v4 =	vadd.s32 v1, v4;
	_ =	sdelay $0x1  }
0x88: {  	v3 =	vadd.s32 v1, v3;
	_ =	sdelay $0x2  }
0x89: {  	[tilespmem:s15], [sflag:$0x1] =	stream.indirect_vreg.gather [hbm4b:s0+s3], $0x80, v4, vm0, $0xb8;
	[tilespmem:$0x6480] =	vst v63  }
0x8a: {  	_ = 	snop  }
0x8b: {  	[tilespmem:s16], [sflag:$0x1] =	stream.indirect_vreg.gather [hbm4b:s0+s3], $0x80, v3, vm0, $0xb8;
	[tilespmem:$0x6480] =	vst v63  }
0x8c: {  	v3 =	vld [tilespmem:$0xC0];
	_ =	sdelay $0x4  }
0x8d: {  	v56 =	vshll.u32 v3, $0x1  }
0x8e: {  	v3 =	vand.u32 $0x7, v3;
	v4 =	vand.u32 $0xFFFFFFF0, v56  }
0x8f: {  	v3 =	vor.u32 v3, v4  }
0x90: {  	v4 =	vperm.xlane v3, v0;
	_ =	sdelay $0x1  }
0x91: {  	v3 =	vperm.xlane v3, v2;
	v4 =	vadd.s32 v1, v4;
	_ =	sdelay $0x1  }
0x92: {  	v3 =	vadd.s32 v1, v3;
	_ =	sdelay $0x2  }
0x93: {  	[tilespmem:s17], [sflag:$0x1] =	stream.indirect_vreg.gather [hbm4b:s0+s3], $0x80, v4, vm0, $0xb8;
	[tilespmem:$0x6480] =	vst v63  }
0x94: {  	_ = 	snop  }
0x95: {  	[tilespmem:s18], [sflag:$0x1] =	stream.indirect_vreg.gather [hbm4b:s0+s3], $0x80, v3, vm0, $0xb8;
	[tilespmem:$0x6480] =	vst v63  }
0x96: {  	v3 =	vld [tilespmem:$0xD0];
	_ =	sdelay $0x4  }
0x97: {  	v57 =	vshll.u32 v3, $0x1  }
0x98: {  	v3 =	vand.u32 $0x7, v3;
	v4 =	vand.u32 $0xFFFFFFF0, v57  }
0x99: {  	v3 =	vor.u32 v3, v4  }
0x9a: {  	v4 =	vperm.xlane v3, v0;
	_ =	sdelay $0x1  }
0x9b: {  	v3 =	vperm.xlane v3, v2;
	v4 =	vadd.s32 v1, v4;
	_ =	sdelay $0x1  }
0x9c: {  	v3 =	vadd.s32 v1, v3;
	_ =	sdelay $0x2  }
0x9d: {  	[tilespmem:s19], [sflag:$0x1] =	stream.indirect_vreg.gather [hbm4b:s0+s3], $0x80, v4, vm0, $0xb8;
	[tilespmem:$0x6480] =	vst v63  }
0x9e: {  	_ = 	snop  }
0x9f: {  	[tilespmem:s20], [sflag:$0x1] =	stream.indirect_vreg.gather [hbm4b:s0+s3], $0x80, v3, vm0, $0xb8;
	[tilespmem:$0x6480] =	vst v63  }
0xa0: {  	_ =	swait.ge [sflag:s21], $0x6000  }
0xa1: {  	[sflag:s21] =	ssyncset.done $0x0  }
0xa2: {  	s30 =	rddreg [dreg:$0xb];
	[sflag:s21] =	ssyncadd.s32 $0xFFFFA000  }
0xa3: {  	[hbm4b:s30+s3] =	stream.linear.scatter [tilespmem:s9], [sflag:$0x2], $0x6000, $0x38;
	[tilespmem:$0x6480] =	vst v63  }
0xa4: {  	_ =	swait.ge [sflag:s8], $0x6000  }
0xa5: {  	[sflag:s8] =	ssyncset.done $0x0  }
0xa6: {  	[sflag:s8] =	ssyncadd.s32 $0xFFFFA000  }
0xa7: {  	[tilespmem:s23], [sflag:$0x2] =	stream.linear.gather [hbm4b:s4+s3], $0x60, $0x38;
	[tilespmem:$0x6480] =	vst v63  }
0xa8: {  	_ =	swait.ge [sflag:s8], $0x60  }
0xa9: {  	[sflag:s8] =	ssyncset.done $0x0  }
0xaa: {  	[sflag:s8] =	ssyncadd.s32 $0xFFFFFFA0  }
0xab: {  	v3 =	vld [tilespmem:$0x100];
	_ =	sdelay $0x4  }
0xac: {  	v58 =	vshll.u32 v3, $0x1  }
0xad: {  	v3 =	vand.u32 $0x7, v3;
	v4 =	vand.u32 $0xFFFFFFF0, v58  }
0xae: {  	v3 =	vor.u32 v3, v4  }
0xaf: {  	v4 =	vperm.xlane v3, v0;
	_ =	sdelay $0x1  }
0xb0: {  	v3 =	vperm.xlane v3, v2;
	v4 =	vadd.s32 v1, v4;
	_ =	sdelay $0x1  }
0xb1: {  	v3 =	vadd.s32 v1, v3;
	_ =	sdelay $0x2  }
0xb2: {  	[tilespmem:s9], [sflag:$0x1] =	stream.indirect_vreg.gather [hbm4b:s0+s3], $0x80, v4, vm0, $0xb8;
	[tilespmem:$0x6480] =	vst v63  }
0xb3: {  	_ = 	snop  }
0xb4: {  	[tilespmem:s10], [sflag:$0x1] =	stream.indirect_vreg.gather [hbm4b:s0+s3], $0x80, v3, vm0, $0xb8;
	[tilespmem:$0x6480] =	vst v63  }
0xb5: {  	v3 =	vld [tilespmem:$0x110];
	_ =	sdelay $0x4  }
0xb6: {  	v59 =	vshll.u32 v3, $0x1  }
0xb7: {  	v3 =	vand.u32 $0x7, v3;
	v4 =	vand.u32 $0xFFFFFFF0, v59  }
0xb8: {  	v3 =	vor.u32 v3, v4  }
0xb9: {  	v4 =	vperm.xlane v3, v0;
	_ =	sdelay $0x1  }
0xba: {  	v3 =	vperm.xlane v3, v2;
	v4 =	vadd.s32 v1, v4;
	_ =	sdelay $0x1  }
0xbb: {  	v3 =	vadd.s32 v1, v3;
	_ =	sdelay $0x2  }
0xbc: {  	[tilespmem:s11], [sflag:$0x1] =	stream.indirect_vreg.gather [hbm4b:s0+s3], $0x80, v4, vm0, $0xb8;
	[tilespmem:$0x6480] =	vst v63  }
0xbd: {  	_ = 	snop  }
0xbe: {  	[tilespmem:s12], [sflag:$0x1] =	stream.indirect_vreg.gather [hbm4b:s0+s3], $0x80, v3, vm0, $0xb8;
	[tilespmem:$0x6480] =	vst v63  }
0xbf: {  	v3 =	vld [tilespmem:$0x120];
	_ =	sdelay $0x4  }
0xc0: {  	v60 =	vshll.u32 v3, $0x1  }
0xc1: {  	v3 =	vand.u32 $0x7, v3;
	v4 =	vand.u32 $0xFFFFFFF0, v60  }
0xc2: {  	v3 =	vor.u32 v3, v4  }
0xc3: {  	v4 =	vperm.xlane v3, v0;
	_ =	sdelay $0x1  }
0xc4: {  	v3 =	vperm.xlane v3, v2;
	v4 =	vadd.s32 v1, v4;
	_ =	sdelay $0x1  }
0xc5: {  	v3 =	vadd.s32 v1, v3;
	_ =	sdelay $0x2  }
0xc6: {  	[tilespmem:s13], [sflag:$0x1] =	stream.indirect_vreg.gather [hbm4b:s0+s3], $0x80, v4, vm0, $0xb8;
	[tilespmem:$0x6480] =	vst v63  }
0xc7: {  	_ = 	snop  }
0xc8: {  	[tilespmem:s14], [sflag:$0x1] =	stream.indirect_vreg.gather [hbm4b:s0+s3], $0x80, v3, vm0, $0xb8;
	[tilespmem:$0x6480] =	vst v63  }
0xc9: {  	v3 =	vld [tilespmem:$0x130];
	_ =	sdelay $0x4  }
0xca: {  	v61 =	vshll.u32 v3, $0x1  }
0xcb: {  	v3 =	vand.u32 $0x7, v3;
	v4 =	vand.u32 $0xFFFFFFF0, v61  }
0xcc: {  	v3 =	vor.u32 v3, v4  }
0xcd: {  	v4 =	vperm.xlane v3, v0;
	_ =	sdelay $0x1  }
0xce: {  	v3 =	vperm.xlane v3, v2;
	v4 =	vadd.s32 v1, v4;
	_ =	sdelay $0x1  }
0xcf: {  	v3 =	vadd.s32 v1, v3;
	_ =	sdelay $0x2  }
0xd0: {  	[tilespmem:s15], [sflag:$0x1] =	stream.indirect_vreg.gather [hbm4b:s0+s3], $0x80, v4, vm0, $0xb8;
	[tilespmem:$0x6480] =	vst v63  }
0xd1: {  	_ = 	snop  }
0xd2: {  	[tilespmem:s16], [sflag:$0x1] =	stream.indirect_vreg.gather [hbm4b:s0+s3], $0x80, v3, vm0, $0xb8;
	[tilespmem:$0x6480] =	vst v63  }
0xd3: {  	v3 =	vld [tilespmem:$0x140];
	_ =	sdelay $0x4  }
0xd4: {  	v62 =	vshll.u32 v3, $0x1  }
0xd5: {  	v3 =	vand.u32 $0x7, v3;
	v4 =	vand.u32 $0xFFFFFFF0, v62  }
0xd6: {  	v3 =	vor.u32 v3, v4  }
0xd7: {  	v4 =	vperm.xlane v3, v0;
	_ =	sdelay $0x1  }
0xd8: {  	v3 =	vperm.xlane v3, v2;
	v4 =	vadd.s32 v1, v4;
	_ =	sdelay $0x1  }
0xd9: {  	v3 =	vadd.s32 v1, v3;
	_ =	sdelay $0x2  }
0xda: {  	[tilespmem:s17], [sflag:$0x1] =	stream.indirect_vreg.gather [hbm4b:s0+s3], $0x80, v4, vm0, $0xb8;
	[tilespmem:$0x6480] =	vst v63  }
0xdb: {  	_ = 	snop  }
0xdc: {  	[tilespmem:s18], [sflag:$0x1] =	stream.indirect_vreg.gather [hbm4b:s0+s3], $0x80, v3, vm0, $0xb8;
	[tilespmem:$0x6480] =	vst v63  }
0xdd: {  	v3 =	vld [tilespmem:$0x150];
	_ =	sdelay $0x4  }
0xde: {  	v63 =	vshll.u32 v3, $0x1  }
0xdf: {  	v3 =	vand.u32 $0x7, v3;
	v4 =	vand.u32 $0xFFFFFFF0, v63  }
0xe0: {  	v3 =	vor.u32 v3, v4  }
0xe1: {  	v4 =	vperm.xlane v3, v0;
	_ =	sdelay $0x1  }
0xe2: {  	v3 =	vperm.xlane v3, v2;
	v4 =	vadd.s32 v1, v4;
	_ =	sdelay $0x1  }
0xe3: {  	v3 =	vadd.s32 v1, v3;
	_ =	sdelay $0x2  }
0xe4: {  	[tilespmem:s19], [sflag:$0x1] =	stream.indirect_vreg.gather [hbm4b:s0+s3], $0x80, v4, vm0, $0xb8;
	[tilespmem:$0x6480] =	vst v63  }
0xe5: {  	_ = 	snop  }
0xe6: {  	[tilespmem:s20], [sflag:$0x1] =	stream.indirect_vreg.gather [hbm4b:s0+s3], $0x80, v3, vm0, $0xb8;
	[tilespmem:$0x6480] =	vst v63  }
0xe7: {  	_ =	swait.ge [sflag:s21], $0x6000  }
0xe8: {  	[sflag:s21] =	ssyncset.done $0x0  }
0xe9: {  	[sflag:s21] =	ssyncadd.s32 $0xFFFFA000  }
0xea: {  	[hbm4b:s5+s3] =	stream.linear.scatter [tilespmem:s9], [sflag:$0x2], $0x6000, $0x38;
	[tilespmem:$0x6480] =	vst v63  }
0xeb: {  	_ =	swait.ge [sflag:s8], $0x6000  }
0xec: {  	[sflag:s8] =	ssyncset.done $0x0  }
0xed: {  	s31 =	rddreg [dreg:$0x7];
	[sflag:s8] =	ssyncadd.s32 $0xFFFFA000  }
0xee: {  	[tilespmem:s24], [sflag:$0x2] =	stream.linear.gather [hbm4b:s31+s3], $0x80, $0x38;
	[tilespmem:$0x6480] =	vst v63  }
0xef: {  	_ =	swait.ge [sflag:s8], $0x80  }
0xf0: {  	s28 =	sshrl.u32 @!p0 s2, $0x3;
	[sflag:s8] =	ssyncset.done $0x0  }
0xf1: {  	s29 =	simm.s32 @!p0 $0x1C02;
	s26 =	rddreg [dreg:$0x6];
	[sflag:s8] =	ssyncadd.s32 $0xFFFFFF80  }
0xf2: {  	[spmem:s28], [sflag:s29] =	dma.local @!p0 [hbm:s26], $0x400  }
0xf3: {  	s26 =	simm.s32 @!p0 $0x2  }
0xf4: {  	_ =	swait.ge @!p0 [sflag:s26], $0x400  }
0xf5: {  	[sflag:s26] =	ssyncset.done @!p0 $0x0  }
0xf6: {  	[sflag:s26] =	ssyncadd.s32 @!p0 $0xFFFFFC00  }
0xf7: {  	[bflag:$0x0] =	sbarrier.arrive $0xFFFF  }
0xf8: {  	[spmem:s2] =	stream.indirect.scatter.add.f32 [tilespmem:s24], [sflag:$0x2], $0x1, s3, s25, $0xb8;
	[tilespmem:$0x6480] =	vst v63  }
0xf9: {  	_ =	swait.ge [sflag:s8], $0x60  }
0xfa: {  	[sflag:s8] =	ssyncset.done $0x0  }
0xfb: {  	[sflag:s8] =	ssyncadd.s32 $0xFFFFFFA0  }
0xfc: {  	[spmem:s2] =	stream.indirect.scatter.add.f32 [tilespmem:s24], [sflag:$0x2], $0x1, s22, s25, $0xb8;
	[tilespmem:$0x6480] =	vst v63  }
0xfd: {  	_ =	swait.ge [sflag:s8], $0x60  }
0xfe: {  	[sflag:s8] =	ssyncset.done $0x0  }
0xff: {  	[sflag:s8] =	ssyncadd.s32 $0xFFFFFFA0  }
0x100: {  	[spmem:s2] =	stream.indirect.scatter.add.f32 [tilespmem:s24], [sflag:$0x2], $0x1, s23, s25, $0xb8;
	[tilespmem:$0x6480] =	vst v63  }
0x101: {  	_ =	swait.ge [sflag:s8], $0x60  }
0x102: {  	s1 =	simm.s32 @!p0 $0x10;
	s7 =	sadd.s32 $0xFFFFFFFF, s7;
	[sflag:s8] =	ssyncset.done $0x0  }
0x103: {  	p1 =	sne.s32 s7, $0x0;
	s30 =	simm.s32 @!p0 $0x1;
	[sflag:s8] =	ssyncadd.s32 $0xFFFFFFA0  }
.Ltmp0:
0x104: {  	s31 =	simm.s32 @!p0 $0x20;
	[bflag:$0x0] =	sbarrier.arrive $0xFFFF;
	(pc) =	sbr.rel @p1 .LBB2_1-.Ltmp0, $4  }
0x105: {  	[hbm:s6@s31], [sflag:s29] =	dma.strided @!p0 [spmem:s28@s1], $0x400, s30, $0x10   }
0x106: {  	_ =	swait.ge @!p0 [sflag:s26], $0x400  }
0x107: {  	[sflag:s26] =	ssyncset.done @!p0 $0x0  }
0x108: {  	[sflag:s26] =	ssyncadd.s32 @!p0 $0xFFFFFC00  }
0x109: {  	_ =	sfence.sel $0x180000  }
0x10a: {  	[bflag:$0x0] =	sbarrier.arrive $0xFFFF  }
0x10b: {  	_ =	strace $0x90000047  }
0x10c: {  	[bflag:$0x2] =	sbarrier.arrive $0xFFFF  }
0x10d: {  	s0 =	rddreg [dreg:$0x5]  }
0x10e: {  	s0 =	sadd.s32 @!p0 $0x100000, s0  }
0x10f: {  	[sflag:s0] =	ssyncadd.tile.s32 @!p0 $0x1;
	_ =	shalt  }
.Lfunc_end2:
_tile_overlayer_lowered:
.L_overlay_start_2:
0x110: {  	(tag) =	ssettag $0x2  }
0x111: {  	s0 =	rddreg [dreg:$0x0];
	s2 =	stileid.u32  }
0x112: {  	s1 =	rddreg [dreg:$0x1];
	p0 =	sne.s32 s2, $0x0  }
0x113: {  	s3 =	rddreg [dreg:$0x2];
	[bflag:$0x3] =	sbarrier.arrive $0xFFFF;
	s2 =	simm.s32 @!p0 $0x1C02  }
0x114: {  	[timem:s3], [sflag:s2] =	dma.local @!p0 [hbm:s0], s1  }
0x115: {  	s0 =	simm.s32 @!p0 $0x2  }
0x116: {  	_ =	swait.ge @!p0 [sflag:s0], s1  }
0x117: {  	s1 =	ssub.s32 @!p0 $0x0, s1;
	[sflag:s0] =	ssyncset.done @!p0 $0x0  }
0x118: {  	[sflag:s0] =	ssyncadd.s32 @!p0 s1  }
0x119: {  	[bflag:$0x3] =	sbarrier.arrive $0xFFFF  }
0x11a: {  	_ =	shalt  }

</sc_bundles>
